<compile_context>
chip_gen: v7x
topology: tpu7x:2x2x1
jax: 0.10.2.dev20260603
libtpu: 0.0.44.dev20260713+nightly
codegen_flags: <defaults>
</compile_context>

<pallas_src>
import functools

import jax
import jax.numpy as jnp
from jax import lax
from jax.experimental import pallas as pl
from jax.experimental.pallas import tpu as pltpu
from jax.experimental.pallas import tpu_sc as plsc

N_NODES = 10000
N_EDGES = 320000
D = 128

NC = 2
NS = 16
NW = NC * NS
EDGES_PER_TILE = N_EDGES // NW
CHUNK = 80
NCHUNK = EDGES_PER_TILE // CHUNK
ZCH = 80
N_PAD = 10240
ROWS_PER_TILE = N_PAD // NS


def _sc_aggregate(x, src, dst, zacc, zcnt, ones):
    mesh = plsc.VectorSubcoreMesh(core_axis_name="c", subcore_axis_name="s")

    @functools.partial(
        pl.kernel,
        out_type=(
            jax.ShapeDtypeStruct((NC, N_PAD, D), jnp.float32),
            jax.ShapeDtypeStruct((NC, N_PAD), jnp.float32),
        ),
        mesh=mesh,
        scratch_types=[
            pltpu.VMEM_SHARED((N_PAD, D), jnp.float32),
            pltpu.VMEM_SHARED((N_PAD,), jnp.float32),
            pltpu.VMEM((ROWS_PER_TILE,), jnp.float32),
            [pltpu.VMEM((CHUNK,), jnp.int32) for _ in range(3)],
            [pltpu.VMEM((CHUNK,), jnp.int32) for _ in range(3)],
            [pltpu.VMEM((CHUNK, D), jnp.float32) for _ in range(3)],
            pltpu.VMEM((CHUNK,), jnp.float32),
            [pltpu.SemaphoreType.DMA for _ in range(3)],
            [pltpu.SemaphoreType.DMA for _ in range(3)],
            [pltpu.SemaphoreType.DMA for _ in range(3)],
        ],
    )
    def agg(x_hbm, src_hbm, dst_hbm, zacc_hbm, zcnt_hbm, ones_hbm,
            acc_out, cnt_out, acc_sh, cnt_sh, cntv,
            sidx, didx, rows, onesv, g, a, i):
        c = lax.axis_index("c")
        s = lax.axis_index("s")
        wid = c * NS + s
        row0 = s * ROWS_PER_TILE
        tile_base = wid * EDGES_PER_TILE

        def idx_start(k, sref, dref, sem):
            pltpu.async_copy(src_hbm.at[pl.ds(tile_base + k * CHUNK, CHUNK)], sref, sem)
            pltpu.async_copy(dst_hbm.at[pl.ds(tile_base + k * CHUNK, CHUNK)], dref, sem)

        def idx_wait(k, sref, dref, sem):
            pltpu.make_async_copy(src_hbm.at[pl.ds(tile_base + k * CHUNK, CHUNK)], sref, sem).wait()
            pltpu.make_async_copy(dst_hbm.at[pl.ds(tile_base + k * CHUNK, CHUNK)], dref, sem).wait()

        def scat_start(rref, dref, sem):
            pltpu.async_copy(rref, acc_sh.at[dref], sem, add=True)
            pltpu.async_copy(onesv, cnt_sh.at[dref], sem, add=True)

        def scat_drain(rref, dref, sem):
            pltpu.make_async_copy(rref, acc_sh.at[dref], sem).wait()
            pltpu.make_async_copy(onesv, cnt_sh.at[dref], sem).wait()

        pltpu.sync_copy(ones_hbm, onesv)
        pltpu.sync_copy(zcnt_hbm, cntv)
        pltpu.sync_copy(cntv, cnt_sh.at[pl.ds(row0, ROWS_PER_TILE)])
        for k in range(3):
            idx_start(k, sidx[k], didx[k], i[k])
        pltpu.sync_copy(zacc_hbm, rows[2].at[pl.ds(0, ZCH)])
        for k in range(ROWS_PER_TILE // ZCH):
            pltpu.async_copy(rows[2].at[pl.ds(0, ZCH)],
                             acc_sh.at[pl.ds(row0 + k * ZCH, ZCH)], a[0])
        for k in range(ROWS_PER_TILE // ZCH):
            pltpu.make_async_copy(rows[2].at[pl.ds(0, ZCH)],
                                  acc_sh.at[pl.ds(row0 + k * ZCH, ZCH)], a[0]).wait()

        plsc.subcore_barrier()

        for k in range(2):
            idx_wait(k, sidx[k], didx[k], i[k])
            pltpu.async_copy(x_hbm.at[sidx[k]], rows[k], g[k])

        @pl.loop(0, NCHUNK - 5, step=3)
        def _edges(j):
            pltpu.make_async_copy(x_hbm.at[sidx[0]], rows[0], g[0]).wait()
            scat_start(rows[0], didx[0], a[0])
            idx_wait(j + 2, sidx[2], didx[2], i[2])
            pltpu.async_copy(x_hbm.at[sidx[2]], rows[2], g[2])
            pltpu.make_async_copy(x_hbm.at[sidx[1]], rows[1], g[1]).wait()
            scat_start(rows[1], didx[1], a[1])
            scat_drain(rows[0], didx[0], a[0])
            idx_start(j + 3, sidx[0], didx[0], i[0])
            pltpu.make_async_copy(x_hbm.at[sidx[2]], rows[2], g[2]).wait()
            scat_start(rows[2], didx[2], a[2])
            scat_drain(rows[1], didx[1], a[1])
            idx_start(j + 4, sidx[1], didx[1], i[1])
            idx_wait(j + 3, sidx[0], didx[0], i[0])
            pltpu.async_copy(x_hbm.at[sidx[0]], rows[0], g[0])
            scat_drain(rows[2], didx[2], a[2])
            idx_start(j + 5, sidx[2], didx[2], i[2])
            idx_wait(j + 4, sidx[1], didx[1], i[1])
            pltpu.async_copy(x_hbm.at[sidx[1]], rows[1], g[1])

        pltpu.make_async_copy(x_hbm.at[sidx[0]], rows[0], g[0]).wait()
        scat_start(rows[0], didx[0], a[0])
        idx_wait(NCHUNK - 3, sidx[2], didx[2], i[2])
        pltpu.async_copy(x_hbm.at[sidx[2]], rows[2], g[2])
        pltpu.make_async_copy(x_hbm.at[sidx[1]], rows[1], g[1]).wait()
        scat_start(rows[1], didx[1], a[1])
        scat_drain(rows[0], didx[0], a[0])
        idx_start(NCHUNK - 2, sidx[0], didx[0], i[0])
        idx_wait(NCHUNK - 2, sidx[0], didx[0], i[0])
        pltpu.async_copy(x_hbm.at[sidx[0]], rows[0], g[0])
        pltpu.make_async_copy(x_hbm.at[sidx[2]], rows[2], g[2]).wait()
        scat_start(rows[2], didx[2], a[2])
        scat_drain(rows[1], didx[1], a[1])
        idx_start(NCHUNK - 1, sidx[1], didx[1], i[1])
        idx_wait(NCHUNK - 1, sidx[1], didx[1], i[1])
        pltpu.async_copy(x_hbm.at[sidx[1]], rows[1], g[1])
        pltpu.make_async_copy(x_hbm.at[sidx[0]], rows[0], g[0]).wait()
        scat_start(rows[0], didx[0], a[0])
        pltpu.make_async_copy(x_hbm.at[sidx[1]], rows[1], g[1]).wait()
        scat_start(rows[1], didx[1], a[1])
        scat_drain(rows[2], didx[2], a[2])
        scat_drain(rows[0], didx[0], a[0])
        scat_drain(rows[1], didx[1], a[1])

        plsc.subcore_barrier()
        pltpu.sync_copy(cnt_sh.at[pl.ds(row0, ROWS_PER_TILE)], cntv)
        pltpu.async_copy(cntv, cnt_out.at[c, pl.ds(row0, ROWS_PER_TILE)], a[1])
        nwb = ROWS_PER_TILE // ZCH

        def wb_src(k):
            return acc_sh.at[pl.ds(row0 + k * ZCH, ZCH)]

        def wb_dst(k):
            return acc_out.at[c, pl.ds(row0 + k * ZCH, ZCH)]

        for k in range(nwb):
            r = rows[k % 3].at[pl.ds(0, ZCH)]
            if k >= 3:
                pltpu.make_async_copy(rows[k % 3].at[pl.ds(0, ZCH)],
                                      wb_dst(k - 3), a[0]).wait()
            pltpu.sync_copy(wb_src(k), r)
            pltpu.async_copy(r, wb_dst(k), a[0])
        for k in range(nwb - 3, nwb):
            pltpu.make_async_copy(rows[k % 3].at[pl.ds(0, ZCH)],
                                  wb_dst(k), a[0]).wait()
        pltpu.make_async_copy(cntv, cnt_out.at[c, pl.ds(row0, ROWS_PER_TILE)],
                              a[1]).wait()

    return agg(x, src, dst, zacc, zcnt, ones)


def _tc_finish(x, acc, cnt, W, b2):
    BLK = 1024
    nblk = N_PAD // BLK

    def body(x_ref, a0_ref, a1_ref, c_ref, w_ref, b_ref, o_ref):
        ssum = a0_ref[0] + a1_ref[0]
        n = c_ref[0] + c_ref[1]
        h = ssum / jnp.maximum(n, 1.0)[:, None]
        w0 = w_ref[0:D, :]
        w1 = w_ref[D:2 * D, :]
        o_ref[...] = (jnp.dot(x_ref[...], w0, preferred_element_type=jnp.float32)
                      + jnp.dot(h, w1, preferred_element_type=jnp.float32)
                      + b_ref[...])

    return pl.pallas_call(
        body,
        grid=(nblk,),
        in_specs=[
            pl.BlockSpec((BLK, D), lambda i: (i, 0)),
            pl.BlockSpec((1, BLK, D), lambda i: (0, i, 0)),
            pl.BlockSpec((1, BLK, D), lambda i: (1, i, 0)),
            pl.BlockSpec((NC, BLK), lambda i: (0, i)),
            pl.BlockSpec((2 * D, D), lambda i: (0, 0)),
            pl.BlockSpec((1, D), lambda i: (0, 0)),
        ],
        out_specs=pl.BlockSpec((BLK, D), lambda i: (i, 0)),
        out_shape=jax.ShapeDtypeStruct((N_NODES, D), jnp.float32),
    )(x, acc, acc, cnt, W, b2)


def kernel(x, edge_index, W, b):
    src = edge_index[0].astype(jnp.int32)
    dst = edge_index[1].astype(jnp.int32)
    zacc = jnp.zeros((ZCH, D), jnp.float32)
    zcnt = jnp.zeros((ROWS_PER_TILE,), jnp.float32)
    ones = jnp.ones((CHUNK,), jnp.float32)
    acc, cnt = _sc_aggregate(x, src, dst, zacc, zcnt, ones)
    return _tc_finish(x, acc, cnt, W, b.reshape(1, D))

# --- scband reference (transcript-rebuilt; emitter-appended) ---
"""Pipeline reference for scband-sageconv-18932215840939 (READ-ONLY COPY).

The authoritative reference and input builder live on the scoring server;
editing this copy changes nothing except your own understanding.
"""

import jax, jax.numpy as jnp
import numpy as np

N_NODES = 10000
N_EDGES = 320000
D_FEAT = 128
D_OUT = 128

def setup_inputs(seed: int = 0) -> dict:
    key = jax.random.key(seed)
    k1, k2, k3, k4 = jax.random.split(key, 4)
    x = jax.random.normal(k1, (N_NODES, D_FEAT), dtype=jnp.float32)
    edge_index = jax.random.randint(k2, (2, N_EDGES), 0, N_NODES, dtype=jnp.int64)
    # nn.Linear(in_feat*2, out_feat): weight [out, 2*in], bias [out]. Store W as [2*in, out] for x @ W.
    bound = 1.0 / np.sqrt(2 * D_FEAT)
    W = jax.random.uniform(k3, (2 * D_FEAT, D_OUT), minval=-bound, maxval=bound, dtype=jnp.float32)
    b = jax.random.uniform(k4, (D_OUT,), minval=-bound, maxval=bound, dtype=jnp.float32)
    return {"x": x, "edge_index": edge_index, "W": W, "b": b}

def reference(x, edge_index, W, b):
    # DGL SAGEConv: mean-aggregate neighbor (src) features onto dst nodes,
    # concat with dst features, then linear.
    src = edge_index[0]
    dst = edge_index[1]
    m = jnp.take(x, src, axis=0)  # copy_u: messages are source features
    s = jax.ops.segment_sum(m, dst, num_segments=N_NODES)
    cnt = jax.ops.segment_sum(jnp.ones((m.shape[0],), dtype=x.dtype), dst, num_segments=N_NODES)
    h_N = s / jnp.maximum(cnt, 1.0)[:, None]  # mean; zero for isolated nodes
    h_total = jnp.concatenate([x, h_N], axis=1)
    return h_total @ W + b

if __name__ == "__main__":
    import jax
    _d = setup_inputs()
    print(jax.jit(kernel)(*tuple(_d.values())))

</pallas_src>

<mosaic_0001>
#map = affine_map<(d0, d1) -> (0, 0)>
#map1 = affine_map<(d0, d1) -> (0)>
#map2 = affine_map<(d0, d1) -> (0, 0, 0)>
module attributes {stable_mosaic.version = 14 : i64} {
  func.func @agg(%arg0: i32, %arg1: i32, %arg2: memref<10000x128xf32, #tpu.memory_space<hbm>>, %arg3: memref<320000xi32, #tpu.memory_space<hbm>>, %arg4: memref<320000xi32, #tpu.memory_space<hbm>>, %arg5: memref<80x128xf32, #tpu.memory_space<hbm>>, %arg6: memref<640xf32, #tpu.memory_space<hbm>>, %arg7: memref<80xf32, #tpu.memory_space<hbm>>, %arg8: memref<2x10240x128xf32, #tpu.memory_space<hbm>>, %arg9: memref<2x10240xf32, #tpu.memory_space<hbm>>, %arg10: memref<10240x128xf32, #tpu.memory_space<vmem_shared>>, %arg11: memref<10240xf32, #tpu.memory_space<vmem_shared>>, %arg12: memref<640xf32, #tpu.memory_space<vmem>>, %arg13: memref<80xi32, #tpu.memory_space<vmem>>, %arg14: memref<80xi32, #tpu.memory_space<vmem>>, %arg15: memref<80xi32, #tpu.memory_space<vmem>>, %arg16: memref<80xi32, #tpu.memory_space<vmem>>, %arg17: memref<80xi32, #tpu.memory_space<vmem>>, %arg18: memref<80xi32, #tpu.memory_space<vmem>>, %arg19: memref<80x128xf32, #tpu.memory_space<vmem>>, %arg20: memref<80x128xf32, #tpu.memory_space<vmem>>, %arg21: memref<80x128xf32, #tpu.memory_space<vmem>>, %arg22: memref<80xf32, #tpu.memory_space<vmem>>, %arg23: memref<!tpu.dma_semaphore, #tpu.memory_space<semaphore_mem>>, %arg24: memref<!tpu.dma_semaphore, #tpu.memory_space<semaphore_mem>>, %arg25: memref<!tpu.dma_semaphore, #tpu.memory_space<semaphore_mem>>, %arg26: memref<!tpu.dma_semaphore, #tpu.memory_space<semaphore_mem>>, %arg27: memref<!tpu.dma_semaphore, #tpu.memory_space<semaphore_mem>>, %arg28: memref<!tpu.dma_semaphore, #tpu.memory_space<semaphore_mem>>, %arg29: memref<!tpu.dma_semaphore, #tpu.memory_space<semaphore_mem>>, %arg30: memref<!tpu.dma_semaphore, #tpu.memory_space<semaphore_mem>>, %arg31: memref<!tpu.dma_semaphore, #tpu.memory_space<semaphore_mem>>) attributes {dimension_semantics = [#tpu.dimension_semantics<core_parallel>, #tpu.dimension_semantics<subcore_parallel>], iteration_bounds = array<i64: 2, 16>, scalar_prefetch = 0 : i64, scratch_operands = 22 : i64, tpu.core_type = #tpu.core_type<sc_vector_subcore>, window_params = [{transform_indices = #map}, {transform_indices = #map1}, {transform_indices = #map1}, {transform_indices = #map}, {transform_indices = #map1}, {transform_indices = #map1}, {transform_indices = #map2}, {transform_indices = #map}]} {
    %mul3A = arith.constant 16 : i32
    %mul3A_0 = arith.muli %arg0, %mul3A : i32
    %add3A = arith.addi %mul3A_0, %arg1 : i32
    %mul3A_1 = arith.constant 640 : i32
    %mul3A_2 = arith.muli %arg1, %mul3A_1 : i32
    %mul3A_3 = arith.constant 10000 : i32
    %mul3A_4 = arith.muli %add3A, %mul3A_3 : i32
    "tpu.region"() ({
      %run_scoped3A = tpu.sem_alloc : memref<!tpu.dma_semaphore, #tpu.memory_space<semaphore_mem>>
      tpu.enqueue_dma source(%arg7 : memref<80xf32, #tpu.memory_space<hbm>>) target(%arg22 : memref<80xf32, #tpu.memory_space<vmem>>) target_semaphore(%run_scoped3A : memref<!tpu.dma_semaphore, #tpu.memory_space<semaphore_mem>>)
      tpu.wait_dma2 semaphore(%run_scoped3A : memref<!tpu.dma_semaphore, #tpu.memory_space<semaphore_mem>>) src(%arg7 : memref<80xf32, #tpu.memory_space<hbm>>) dst(%arg22 : memref<80xf32, #tpu.memory_space<vmem>>)
      tpu.yield
    }) : () -> ()
    "tpu.region"() ({
      %run_scoped3A = tpu.sem_alloc : memref<!tpu.dma_semaphore, #tpu.memory_space<semaphore_mem>>
      tpu.enqueue_dma source(%arg6 : memref<640xf32, #tpu.memory_space<hbm>>) target(%arg12 : memref<640xf32, #tpu.memory_space<vmem>>) target_semaphore(%run_scoped3A : memref<!tpu.dma_semaphore, #tpu.memory_space<semaphore_mem>>)
      tpu.wait_dma2 semaphore(%run_scoped3A : memref<!tpu.dma_semaphore, #tpu.memory_space<semaphore_mem>>) src(%arg6 : memref<640xf32, #tpu.memory_space<hbm>>) dst(%arg12 : memref<640xf32, #tpu.memory_space<vmem>>)
      tpu.yield
    }) : () -> ()
    "tpu.region"() ({
      %run_scoped3A = tpu.sem_alloc : memref<!tpu.dma_semaphore, #tpu.memory_space<semaphore_mem>>
      %dma_start3A_608 = tpu.memref_slice %arg11[%mul3A_2] : memref<10240xf32, #tpu.memory_space<vmem_shared>> -> memref<640xf32, #tpu.memory_space<vmem_shared>>
      %dma_start3A_609 = tpu.memref_slice %arg11[%mul3A_2] : memref<10240xf32, #tpu.memory_space<vmem_shared>> -> memref<640xf32, #tpu.memory_space<vmem_shared>>
      tpu.enqueue_dma source(%arg12 : memref<640xf32, #tpu.memory_space<vmem>>) target(%dma_start3A_609 : memref<640xf32, #tpu.memory_space<vmem_shared>>) target_semaphore(%run_scoped3A : memref<!tpu.dma_semaphore, #tpu.memory_space<semaphore_mem>>)
      %dma_wait3A_610 = tpu.memref_slice %arg11[%mul3A_2] : memref<10240xf32, #tpu.memory_space<vmem_shared>> -> memref<640xf32, #tpu.memory_space<vmem_shared>>
      %dma_wait3A_611 = tpu.memref_slice %arg11[%mul3A_2] : memref<10240xf32, #tpu.memory_space<vmem_shared>> -> memref<640xf32, #tpu.memory_space<vmem_shared>>
      tpu.wait_dma2 semaphore(%run_scoped3A : memref<!tpu.dma_semaphore, #tpu.memory_space<semaphore_mem>>) src(%arg12 : memref<640xf32, #tpu.memory_space<vmem>>) dst(%dma_wait3A_611 : memref<640xf32, #tpu.memory_space<vmem_shared>>)
      tpu.yield
    }) : () -> ()
    %add3A_5 = arith.constant 0 : i32
    %add3A_6 = arith.addi %mul3A_4, %add3A_5 : i32
    %dma_start3A = tpu.memref_slice %arg3[%add3A_6] : memref<320000xi32, #tpu.memory_space<hbm>> -> memref<80xi32, #tpu.memory_space<hbm>>
    %dma_start3A_7 = tpu.memref_slice %arg3[%add3A_6] : memref<320000xi32, #tpu.memory_space<hbm>> -> memref<80xi32, #tpu.memory_space<hbm>>
    tpu.enqueue_dma source(%dma_start3A_7 : memref<80xi32, #tpu.memory_space<hbm>>) target(%arg13 : memref<80xi32, #tpu.memory_space<vmem>>) target_semaphore(%arg29 : memref<!tpu.dma_semaphore, #tpu.memory_space<semaphore_mem>>)
    %add3A_8 = arith.constant 0 : i32
    %add3A_9 = arith.addi %mul3A_4, %add3A_8 : i32
    %dma_start3A_10 = tpu.memref_slice %arg4[%add3A_9] : memref<320000xi32, #tpu.memory_space<hbm>> -> memref<80xi32, #tpu.memory_space<hbm>>
    %dma_start3A_11 = tpu.memref_slice %arg4[%add3A_9] : memref<320000xi32, #tpu.memory_space<hbm>> -> memref<80xi32, #tpu.memory_space<hbm>>
    tpu.enqueue_dma source(%dma_start3A_11 : memref<80xi32, #tpu.memory_space<hbm>>) target(%arg16 : memref<80xi32, #tpu.memory_space<vmem>>) target_semaphore(%arg29 : memref<!tpu.dma_semaphore, #tpu.memory_space<semaphore_mem>>)
    %add3A_12 = arith.constant 80 : i32
    %add3A_13 = arith.addi %mul3A_4, %add3A_12 : i32
    %dma_start3A_14 = tpu.memref_slice %arg3[%add3A_13] : memref<320000xi32, #tpu.memory_space<hbm>> -> memref<80xi32, #tpu.memory_space<hbm>>
    %dma_start3A_15 = tpu.memref_slice %arg3[%add3A_13] : memref<320000xi32, #tpu.memory_space<hbm>> -> memref<80xi32, #tpu.memory_space<hbm>>
    tpu.enqueue_dma source(%dma_start3A_15 : memref<80xi32, #tpu.memory_space<hbm>>) target(%arg14 : memref<80xi32, #tpu.memory_space<vmem>>) target_semaphore(%arg30 : memref<!tpu.dma_semaphore, #tpu.memory_space<semaphore_mem>>)
    %add3A_16 = arith.constant 80 : i32
    %add3A_17 = arith.addi %mul3A_4, %add3A_16 : i32
    %dma_start3A_18 = tpu.memref_slice %arg4[%add3A_17] : memref<320000xi32, #tpu.memory_space<hbm>> -> memref<80xi32, #tpu.memory_space<hbm>>
    %dma_start3A_19 = tpu.memref_slice %arg4[%add3A_17] : memref<320000xi32, #tpu.memory_space<hbm>> -> memref<80xi32, #tpu.memory_space<hbm>>
    tpu.enqueue_dma source(%dma_start3A_19 : memref<80xi32, #tpu.memory_space<hbm>>) target(%arg17 : memref<80xi32, #tpu.memory_space<vmem>>) target_semaphore(%arg30 : memref<!tpu.dma_semaphore, #tpu.memory_space<semaphore_mem>>)
    %add3A_20 = arith.constant 160 : i32
    %add3A_21 = arith.addi %mul3A_4, %add3A_20 : i32
    %dma_start3A_22 = tpu.memref_slice %arg3[%add3A_21] : memref<320000xi32, #tpu.memory_space<hbm>> -> memref<80xi32, #tpu.memory_space<hbm>>
    %dma_start3A_23 = tpu.memref_slice %arg3[%add3A_21] : memref<320000xi32, #tpu.memory_space<hbm>> -> memref<80xi32, #tpu.memory_space<hbm>>
    tpu.enqueue_dma source(%dma_start3A_23 : memref<80xi32, #tpu.memory_space<hbm>>) target(%arg15 : memref<80xi32, #tpu.memory_space<vmem>>) target_semaphore(%arg31 : memref<!tpu.dma_semaphore, #tpu.memory_space<semaphore_mem>>)
    %add3A_24 = arith.constant 160 : i32
    %add3A_25 = arith.addi %mul3A_4, %add3A_24 : i32
    %dma_start3A_26 = tpu.memref_slice %arg4[%add3A_25] : memref<320000xi32, #tpu.memory_space<hbm>> -> memref<80xi32, #tpu.memory_space<hbm>>
    %dma_start3A_27 = tpu.memref_slice %arg4[%add3A_25] : memref<320000xi32, #tpu.memory_space<hbm>> -> memref<80xi32, #tpu.memory_space<hbm>>
    tpu.enqueue_dma source(%dma_start3A_27 : memref<80xi32, #tpu.memory_space<hbm>>) target(%arg18 : memref<80xi32, #tpu.memory_space<vmem>>) target_semaphore(%arg31 : memref<!tpu.dma_semaphore, #tpu.memory_space<semaphore_mem>>)
    "tpu.region"() ({
      %run_scoped3A = tpu.sem_alloc : memref<!tpu.dma_semaphore, #tpu.memory_space<semaphore_mem>>
      %dma_start3A_608 = arith.constant 0 : i32
      %dma_start3A_609 = arith.constant 0 : i32
      %dma_start3A_610 = tpu.memref_slice %arg21[%dma_start3A_608, %dma_start3A_609] : memref<80x128xf32, #tpu.memory_space<vmem>> -> memref<80x128xf32, #tpu.memory_space<vmem>>
      %dma_start3A_611 = arith.constant 0 : i32
      %dma_start3A_612 = arith.constant 0 : i32
      %dma_start3A_613 = tpu.memref_slice %arg21[%dma_start3A_611, %dma_start3A_612] : memref<80x128xf32, #tpu.memory_space<vmem>> -> memref<80x128xf32, #tpu.memory_space<vmem>>
      tpu.enqueue_dma source(%arg5 : memref<80x128xf32, #tpu.memory_space<hbm>>) target(%dma_start3A_613 : memref<80x128xf32, #tpu.memory_space<vmem>>) target_semaphore(%run_scoped3A : memref<!tpu.dma_semaphore, #tpu.memory_space<semaphore_mem>>)
      %dma_wait3A_614 = arith.constant 0 : i32
      %dma_wait3A_615 = arith.constant 0 : i32
      %dma_wait3A_616 = tpu.memref_slice %arg21[%dma_wait3A_614, %dma_wait3A_615] : memref<80x128xf32, #tpu.memory_space<vmem>> -> memref<80x128xf32, #tpu.memory_space<vmem>>
      %dma_wait3A_617 = arith.constant 0 : i32
      %dma_wait3A_618 = arith.constant 0 : i32
      %dma_wait3A_619 = tpu.memref_slice %arg21[%dma_wait3A_617, %dma_wait3A_618] : memref<80x128xf32, #tpu.memory_space<vmem>> -> memref<80x128xf32, #tpu.memory_space<vmem>>
      tpu.wait_dma2 semaphore(%run_scoped3A : memref<!tpu.dma_semaphore, #tpu.memory_space<semaphore_mem>>) src(%arg5 : memref<80x128xf32, #tpu.memory_space<hbm>>) dst(%dma_wait3A_619 : memref<80x128xf32, #tpu.memory_space<vmem>>)
      tpu.yield
    }) : () -> ()
    %add3A_28 = arith.constant 0 : i32
    %add3A_29 = arith.addi %mul3A_2, %add3A_28 : i32
    %dma_start3A_30 = arith.constant 0 : i32
    %dma_start3A_31 = arith.constant 0 : i32
    %dma_start3A_32 = tpu.memref_slice %arg21[%dma_start3A_30, %dma_start3A_31] : memref<80x128xf32, #tpu.memory_space<vmem>> -> memref<80x128xf32, #tpu.memory_space<vmem>>
    %dma_start3A_33 = arith.constant 0 : i32
    %dma_start3A_34 = tpu.memref_slice %arg10[%add3A_29, %dma_start3A_33] : memref<10240x128xf32, #tpu.memory_space<vmem_shared>> -> memref<80x128xf32, #tpu.memory_space<vmem_shared>>
    %dma_start3A_35 = arith.constant 0 : i32
    %dma_start3A_36 = tpu.memref_slice %arg10[%add3A_29, %dma_start3A_35] : memref<10240x128xf32, #tpu.memory_space<vmem_shared>> -> memref<80x128xf32, #tpu.memory_space<vmem_shared>>
    %dma_start3A_37 = arith.constant 0 : i32
    %dma_start3A_38 = arith.constant 0 : i32
    %dma_start3A_39 = tpu.memref_slice %arg21[%dma_start3A_37, %dma_start3A_38] : memref<80x128xf32, #tpu.memory_space<vmem>> -> memref<80x128xf32, #tpu.memory_space<vmem>>
    tpu.enqueue_dma source(%dma_start3A_39 : memref<80x128xf32, #tpu.memory_space<vmem>>) target(%dma_start3A_36 : memref<80x128xf32, #tpu.memory_space<vmem_shared>>) target_semaphore(%arg26 : memref<!tpu.dma_semaphore, #tpu.memory_space<semaphore_mem>>)
    %add3A_40 = arith.constant 80 : i32
    %add3A_41 = arith.addi %mul3A_2, %add3A_40 : i32
    %dma_start3A_42 = arith.constant 0 : i32
    %dma_start3A_43 = arith.constant 0 : i32
    %dma_start3A_44 = tpu.memref_slice %arg21[%dma_start3A_42, %dma_start3A_43] : memref<80x128xf32, #tpu.memory_space<vmem>> -> memref<80x128xf32, #tpu.memory_space<vmem>>
    %dma_start3A_45 = arith.constant 0 : i32
    %dma_start3A_46 = tpu.memref_slice %arg10[%add3A_41, %dma_start3A_45] : memref<10240x128xf32, #tpu.memory_space<vmem_shared>> -> memref<80x128xf32, #tpu.memory_space<vmem_shared>>
    %dma_start3A_47 = arith.constant 0 : i32
    %dma_start3A_48 = tpu.memref_slice %arg10[%add3A_41, %dma_start3A_47] : memref<10240x128xf32, #tpu.memory_space<vmem_shared>> -> memref<80x128xf32, #tpu.memory_space<vmem_shared>>
    %dma_start3A_49 = arith.constant 0 : i32
    %dma_start3A_50 = arith.constant 0 : i32
    %dma_start3A_51 = tpu.memref_slice %arg21[%dma_start3A_49, %dma_start3A_50] : memref<80x128xf32, #tpu.memory_space<vmem>> -> memref<80x128xf32, #tpu.memory_space<vmem>>
    tpu.enqueue_dma source(%dma_start3A_51 : memref<80x128xf32, #tpu.memory_space<vmem>>) target(%dma_start3A_48 : memref<80x128xf32, #tpu.memory_space<vmem_shared>>) target_semaphore(%arg26 : memref<!tpu.dma_semaphore, #tpu.memory_space<semaphore_mem>>)
    %add3A_52 = arith.constant 160 : i32
    %add3A_53 = arith.addi %mul3A_2, %add3A_52 : i32
    %dma_start3A_54 = arith.constant 0 : i32
    %dma_start3A_55 = arith.constant 0 : i32
    %dma_start3A_56 = tpu.memref_slice %arg21[%dma_start3A_54, %dma_start3A_55] : memref<80x128xf32, #tpu.memory_space<vmem>> -> memref<80x128xf32, #tpu.memory_space<vmem>>
    %dma_start3A_57 = arith.constant 0 : i32
    %dma_start3A_58 = tpu.memref_slice %arg10[%add3A_53, %dma_start3A_57] : memref<10240x128xf32, #tpu.memory_space<vmem_shared>> -> memref<80x128xf32, #tpu.memory_space<vmem_shared>>
    %dma_start3A_59 = arith.constant 0 : i32
    %dma_start3A_60 = tpu.memref_slice %arg10[%add3A_53, %dma_start3A_59] : memref<10240x128xf32, #tpu.memory_space<vmem_shared>> -> memref<80x128xf32, #tpu.memory_space<vmem_shared>>
    %dma_start3A_61 = arith.constant 0 : i32
    %dma_start3A_62 = arith.constant 0 : i32
    %dma_start3A_63 = tpu.memref_slice %arg21[%dma_start3A_61, %dma_start3A_62] : memref<80x128xf32, #tpu.memory_space<vmem>> -> memref<80x128xf32, #tpu.memory_space<vmem>>
    tpu.enqueue_dma source(%dma_start3A_63 : memref<80x128xf32, #tpu.memory_space<vmem>>) target(%dma_start3A_60 : memref<80x128xf32, #tpu.memory_space<vmem_shared>>) target_semaphore(%arg26 : memref<!tpu.dma_semaphore, #tpu.memory_space<semaphore_mem>>)
    %add3A_64 = arith.constant 240 : i32
    %add3A_65 = arith.addi %mul3A_2, %add3A_64 : i32
    %dma_start3A_66 = arith.constant 0 : i32
    %dma_start3A_67 = arith.constant 0 : i32
    %dma_start3A_68 = tpu.memref_slice %arg21[%dma_start3A_66, %dma_start3A_67] : memref<80x128xf32, #tpu.memory_space<vmem>> -> memref<80x128xf32, #tpu.memory_space<vmem>>
    %dma_start3A_69 = arith.constant 0 : i32
    %dma_start3A_70 = tpu.memref_slice %arg10[%add3A_65, %dma_start3A_69] : memref<10240x128xf32, #tpu.memory_space<vmem_shared>> -> memref<80x128xf32, #tpu.memory_space<vmem_shared>>
    %dma_start3A_71 = arith.constant 0 : i32
    %dma_start3A_72 = tpu.memref_slice %arg10[%add3A_65, %dma_start3A_71] : memref<10240x128xf32, #tpu.memory_space<vmem_shared>> -> memref<80x128xf32, #tpu.memory_space<vmem_shared>>
    %dma_start3A_73 = arith.constant 0 : i32
    %dma_start3A_74 = arith.constant 0 : i32
    %dma_start3A_75 = tpu.memref_slice %arg21[%dma_start3A_73, %dma_start3A_74] : memref<80x128xf32, #tpu.memory_space<vmem>> -> memref<80x128xf32, #tpu.memory_space<vmem>>
    tpu.enqueue_dma source(%dma_start3A_75 : memref<80x128xf32, #tpu.memory_space<vmem>>) target(%dma_start3A_72 : memref<80x128xf32, #tpu.memory_space<vmem_shared>>) target_semaphore(%arg26 : memref<!tpu.dma_semaphore, #tpu.memory_space<semaphore_mem>>)
    %add3A_76 = arith.constant 320 : i32
    %add3A_77 = arith.addi %mul3A_2, %add3A_76 : i32
    %dma_start3A_78 = arith.constant 0 : i32
    %dma_start3A_79 = arith.constant 0 : i32
    %dma_start3A_80 = tpu.memref_slice %arg21[%dma_start3A_78, %dma_start3A_79] : memref<80x128xf32, #tpu.memory_space<vmem>> -> memref<80x128xf32, #tpu.memory_space<vmem>>
    %dma_start3A_81 = arith.constant 0 : i32
    %dma_start3A_82 = tpu.memref_slice %arg10[%add3A_77, %dma_start3A_81] : memref<10240x128xf32, #tpu.memory_space<vmem_shared>> -> memref<80x128xf32, #tpu.memory_space<vmem_shared>>
    %dma_start3A_83 = arith.constant 0 : i32
    %dma_start3A_84 = tpu.memref_slice %arg10[%add3A_77, %dma_start3A_83] : memref<10240x128xf32, #tpu.memory_space<vmem_shared>> -> memref<80x128xf32, #tpu.memory_space<vmem_shared>>
    %dma_start3A_85 = arith.constant 0 : i32
    %dma_start3A_86 = arith.constant 0 : i32
    %dma_start3A_87 = tpu.memref_slice %arg21[%dma_start3A_85, %dma_start3A_86] : memref<80x128xf32, #tpu.memory_space<vmem>> -> memref<80x128xf32, #tpu.memory_space<vmem>>
    tpu.enqueue_dma source(%dma_start3A_87 : memref<80x128xf32, #tpu.memory_space<vmem>>) target(%dma_start3A_84 : memref<80x128xf32, #tpu.memory_space<vmem_shared>>) target_semaphore(%arg26 : memref<!tpu.dma_semaphore, #tpu.memory_space<semaphore_mem>>)
    %add3A_88 = arith.constant 400 : i32
    %add3A_89 = arith.addi %mul3A_2, %add3A_88 : i32
    %dma_start3A_90 = arith.constant 0 : i32
    %dma_start3A_91 = arith.constant 0 : i32
    %dma_start3A_92 = tpu.memref_slice %arg21[%dma_start3A_90, %dma_start3A_91] : memref<80x128xf32, #tpu.memory_space<vmem>> -> memref<80x128xf32, #tpu.memory_space<vmem>>
    %dma_start3A_93 = arith.constant 0 : i32
    %dma_start3A_94 = tpu.memref_slice %arg10[%add3A_89, %dma_start3A_93] : memref<10240x128xf32, #tpu.memory_space<vmem_shared>> -> memref<80x128xf32, #tpu.memory_space<vmem_shared>>
    %dma_start3A_95 = arith.constant 0 : i32
    %dma_start3A_96 = tpu.memref_slice %arg10[%add3A_89, %dma_start3A_95] : memref<10240x128xf32, #tpu.memory_space<vmem_shared>> -> memref<80x128xf32, #tpu.memory_space<vmem_shared>>
    %dma_start3A_97 = arith.constant 0 : i32
    %dma_start3A_98 = arith.constant 0 : i32
    %dma_start3A_99 = tpu.memref_slice %arg21[%dma_start3A_97, %dma_start3A_98] : memref<80x128xf32, #tpu.memory_space<vmem>> -> memref<80x128xf32, #tpu.memory_space<vmem>>
    tpu.enqueue_dma source(%dma_start3A_99 : memref<80x128xf32, #tpu.memory_space<vmem>>) target(%dma_start3A_96 : memref<80x128xf32, #tpu.memory_space<vmem_shared>>) target_semaphore(%arg26 : memref<!tpu.dma_semaphore, #tpu.memory_space<semaphore_mem>>)
    %add3A_100 = arith.constant 480 : i32
    %add3A_101 = arith.addi %mul3A_2, %add3A_100 : i32
    %dma_start3A_102 = arith.constant 0 : i32
    %dma_start3A_103 = arith.constant 0 : i32
    %dma_start3A_104 = tpu.memref_slice %arg21[%dma_start3A_102, %dma_start3A_103] : memref<80x128xf32, #tpu.memory_space<vmem>> -> memref<80x128xf32, #tpu.memory_space<vmem>>
    %dma_start3A_105 = arith.constant 0 : i32
    %dma_start3A_106 = tpu.memref_slice %arg10[%add3A_101, %dma_start3A_105] : memref<10240x128xf32, #tpu.memory_space<vmem_shared>> -> memref<80x128xf32, #tpu.memory_space<vmem_shared>>
    %dma_start3A_107 = arith.constant 0 : i32
    %dma_start3A_108 = tpu.memref_slice %arg10[%add3A_101, %dma_start3A_107] : memref<10240x128xf32, #tpu.memory_space<vmem_shared>> -> memref<80x128xf32, #tpu.memory_space<vmem_shared>>
    %dma_start3A_109 = arith.constant 0 : i32
    %dma_start3A_110 = arith.constant 0 : i32
    %dma_start3A_111 = tpu.memref_slice %arg21[%dma_start3A_109, %dma_start3A_110] : memref<80x128xf32, #tpu.memory_space<vmem>> -> memref<80x128xf32, #tpu.memory_space<vmem>>
    tpu.enqueue_dma source(%dma_start3A_111 : memref<80x128xf32, #tpu.memory_space<vmem>>) target(%dma_start3A_108 : memref<80x128xf32, #tpu.memory_space<vmem_shared>>) target_semaphore(%arg26 : memref<!tpu.dma_semaphore, #tpu.memory_space<semaphore_mem>>)
    %add3A_112 = arith.constant 560 : i32
    %add3A_113 = arith.addi %mul3A_2, %add3A_112 : i32
    %dma_start3A_114 = arith.constant 0 : i32
    %dma_start3A_115 = arith.constant 0 : i32
    %dma_start3A_116 = tpu.memref_slice %arg21[%dma_start3A_114, %dma_start3A_115] : memref<80x128xf32, #tpu.memory_space<vmem>> -> memref<80x128xf32, #tpu.memory_space<vmem>>
    %dma_start3A_117 = arith.constant 0 : i32
    %dma_start3A_118 = tpu.memref_slice %arg10[%add3A_113, %dma_start3A_117] : memref<10240x128xf32, #tpu.memory_space<vmem_shared>> -> memref<80x128xf32, #tpu.memory_space<vmem_shared>>
    %dma_start3A_119 = arith.constant 0 : i32
    %dma_start3A_120 = tpu.memref_slice %arg10[%add3A_113, %dma_start3A_119] : memref<10240x128xf32, #tpu.memory_space<vmem_shared>> -> memref<80x128xf32, #tpu.memory_space<vmem_shared>>
    %dma_start3A_121 = arith.constant 0 : i32
    %dma_start3A_122 = arith.constant 0 : i32
    %dma_start3A_123 = tpu.memref_slice %arg21[%dma_start3A_121, %dma_start3A_122] : memref<80x128xf32, #tpu.memory_space<vmem>> -> memref<80x128xf32, #tpu.memory_space<vmem>>
    tpu.enqueue_dma source(%dma_start3A_123 : memref<80x128xf32, #tpu.memory_space<vmem>>) target(%dma_start3A_120 : memref<80x128xf32, #tpu.memory_space<vmem_shared>>) target_semaphore(%arg26 : memref<!tpu.dma_semaphore, #tpu.memory_space<semaphore_mem>>)
    %add3A_124 = arith.constant 0 : i32
    %add3A_125 = arith.addi %mul3A_2, %add3A_124 : i32
    %dma_wait3A = arith.constant 0 : i32
    %dma_wait3A_126 = arith.constant 0 : i32
    %dma_wait3A_127 = tpu.memref_slice %arg21[%dma_wait3A, %dma_wait3A_126] : memref<80x128xf32, #tpu.memory_space<vmem>> -> memref<80x128xf32, #tpu.memory_space<vmem>>
    %dma_wait3A_128 = arith.constant 0 : i32
    %dma_wait3A_129 = tpu.memref_slice %arg10[%add3A_125, %dma_wait3A_128] : memref<10240x128xf32, #tpu.memory_space<vmem_shared>> -> memref<80x128xf32, #tpu.memory_space<vmem_shared>>
    %dma_wait3A_130 = arith.constant 0 : i32
    %dma_wait3A_131 = tpu.memref_slice %arg10[%add3A_125, %dma_wait3A_130] : memref<10240x128xf32, #tpu.memory_space<vmem_shared>> -> memref<80x128xf32, #tpu.memory_space<vmem_shared>>
    %dma_wait3A_132 = arith.constant 0 : i32
    %dma_wait3A_133 = arith.constant 0 : i32
    %dma_wait3A_134 = tpu.memref_slice %arg21[%dma_wait3A_132, %dma_wait3A_133] : memref<80x128xf32, #tpu.memory_space<vmem>> -> memref<80x128xf32, #tpu.memory_space<vmem>>
    tpu.wait_dma2 semaphore(%arg26 : memref<!tpu.dma_semaphore, #tpu.memory_space<semaphore_mem>>) src(%dma_wait3A_134 : memref<80x128xf32, #tpu.memory_space<vmem>>) dst(%dma_wait3A_131 : memref<80x128xf32, #tpu.memory_space<vmem_shared>>)
    %add3A_135 = arith.constant 80 : i32
    %add3A_136 = arith.addi %mul3A_2, %add3A_135 : i32
    %dma_wait3A_137 = arith.constant 0 : i32
    %dma_wait3A_138 = arith.constant 0 : i32
    %dma_wait3A_139 = tpu.memref_slice %arg21[%dma_wait3A_137, %dma_wait3A_138] : memref<80x128xf32, #tpu.memory_space<vmem>> -> memref<80x128xf32, #tpu.memory_space<vmem>>
    %dma_wait3A_140 = arith.constant 0 : i32
    %dma_wait3A_141 = tpu.memref_slice %arg10[%add3A_136, %dma_wait3A_140] : memref<10240x128xf32, #tpu.memory_space<vmem_shared>> -> memref<80x128xf32, #tpu.memory_space<vmem_shared>>
    %dma_wait3A_142 = arith.constant 0 : i32
    %dma_wait3A_143 = tpu.memref_slice %arg10[%add3A_136, %dma_wait3A_142] : memref<10240x128xf32, #tpu.memory_space<vmem_shared>> -> memref<80x128xf32, #tpu.memory_space<vmem_shared>>
    %dma_wait3A_144 = arith.constant 0 : i32
    %dma_wait3A_145 = arith.constant 0 : i32
    %dma_wait3A_146 = tpu.memref_slice %arg21[%dma_wait3A_144, %dma_wait3A_145] : memref<80x128xf32, #tpu.memory_space<vmem>> -> memref<80x128xf32, #tpu.memory_space<vmem>>
    tpu.wait_dma2 semaphore(%arg26 : memref<!tpu.dma_semaphore, #tpu.memory_space<semaphore_mem>>) src(%dma_wait3A_146 : memref<80x128xf32, #tpu.memory_space<vmem>>) dst(%dma_wait3A_143 : memref<80x128xf32, #tpu.memory_space<vmem_shared>>)
    %add3A_147 = arith.constant 160 : i32
    %add3A_148 = arith.addi %mul3A_2, %add3A_147 : i32
    %dma_wait3A_149 = arith.constant 0 : i32
    %dma_wait3A_150 = arith.constant 0 : i32
    %dma_wait3A_151 = tpu.memref_slice %arg21[%dma_wait3A_149, %dma_wait3A_150] : memref<80x128xf32, #tpu.memory_space<vmem>> -> memref<80x128xf32, #tpu.memory_space<vmem>>
    %dma_wait3A_152 = arith.constant 0 : i32
    %dma_wait3A_153 = tpu.memref_slice %arg10[%add3A_148, %dma_wait3A_152] : memref<10240x128xf32, #tpu.memory_space<vmem_shared>> -> memref<80x128xf32, #tpu.memory_space<vmem_shared>>
    %dma_wait3A_154 = arith.constant 0 : i32
    %dma_wait3A_155 = tpu.memref_slice %arg10[%add3A_148, %dma_wait3A_154] : memref<10240x128xf32, #tpu.memory_space<vmem_shared>> -> memref<80x128xf32, #tpu.memory_space<vmem_shared>>
    %dma_wait3A_156 = arith.constant 0 : i32
    %dma_wait3A_157 = arith.constant 0 : i32
    %dma_wait3A_158 = tpu.memref_slice %arg21[%dma_wait3A_156, %dma_wait3A_157] : memref<80x128xf32, #tpu.memory_space<vmem>> -> memref<80x128xf32, #tpu.memory_space<vmem>>
    tpu.wait_dma2 semaphore(%arg26 : memref<!tpu.dma_semaphore, #tpu.memory_space<semaphore_mem>>) src(%dma_wait3A_158 : memref<80x128xf32, #tpu.memory_space<vmem>>) dst(%dma_wait3A_155 : memref<80x128xf32, #tpu.memory_space<vmem_shared>>)
    %add3A_159 = arith.constant 240 : i32
    %add3A_160 = arith.addi %mul3A_2, %add3A_159 : i32
    %dma_wait3A_161 = arith.constant 0 : i32
    %dma_wait3A_162 = arith.constant 0 : i32
    %dma_wait3A_163 = tpu.memref_slice %arg21[%dma_wait3A_161, %dma_wait3A_162] : memref<80x128xf32, #tpu.memory_space<vmem>> -> memref<80x128xf32, #tpu.memory_space<vmem>>
    %dma_wait3A_164 = arith.constant 0 : i32
    %dma_wait3A_165 = tpu.memref_slice %arg10[%add3A_160, %dma_wait3A_164] : memref<10240x128xf32, #tpu.memory_space<vmem_shared>> -> memref<80x128xf32, #tpu.memory_space<vmem_shared>>
    %dma_wait3A_166 = arith.constant 0 : i32
    %dma_wait3A_167 = tpu.memref_slice %arg10[%add3A_160, %dma_wait3A_166] : memref<10240x128xf32, #tpu.memory_space<vmem_shared>> -> memref<80x128xf32, #tpu.memory_space<vmem_shared>>
    %dma_wait3A_168 = arith.constant 0 : i32
    %dma_wait3A_169 = arith.constant 0 : i32
    %dma_wait3A_170 = tpu.memref_slice %arg21[%dma_wait3A_168, %dma_wait3A_169] : memref<80x128xf32, #tpu.memory_space<vmem>> -> memref<80x128xf32, #tpu.memory_space<vmem>>
    tpu.wait_dma2 semaphore(%arg26 : memref<!tpu.dma_semaphore, #tpu.memory_space<semaphore_mem>>) src(%dma_wait3A_170 : memref<80x128xf32, #tpu.memory_space<vmem>>) dst(%dma_wait3A_167 : memref<80x128xf32, #tpu.memory_space<vmem_shared>>)
    %add3A_171 = arith.constant 320 : i32
    %add3A_172 = arith.addi %mul3A_2, %add3A_171 : i32
    %dma_wait3A_173 = arith.constant 0 : i32
    %dma_wait3A_174 = arith.constant 0 : i32
    %dma_wait3A_175 = tpu.memref_slice %arg21[%dma_wait3A_173, %dma_wait3A_174] : memref<80x128xf32, #tpu.memory_space<vmem>> -> memref<80x128xf32, #tpu.memory_space<vmem>>
    %dma_wait3A_176 = arith.constant 0 : i32
    %dma_wait3A_177 = tpu.memref_slice %arg10[%add3A_172, %dma_wait3A_176] : memref<10240x128xf32, #tpu.memory_space<vmem_shared>> -> memref<80x128xf32, #tpu.memory_space<vmem_shared>>
    %dma_wait3A_178 = arith.constant 0 : i32
    %dma_wait3A_179 = tpu.memref_slice %arg10[%add3A_172, %dma_wait3A_178] : memref<10240x128xf32, #tpu.memory_space<vmem_shared>> -> memref<80x128xf32, #tpu.memory_space<vmem_shared>>
    %dma_wait3A_180 = arith.constant 0 : i32
    %dma_wait3A_181 = arith.constant 0 : i32
    %dma_wait3A_182 = tpu.memref_slice %arg21[%dma_wait3A_180, %dma_wait3A_181] : memref<80x128xf32, #tpu.memory_space<vmem>> -> memref<80x128xf32, #tpu.memory_space<vmem>>
    tpu.wait_dma2 semaphore(%arg26 : memref<!tpu.dma_semaphore, #tpu.memory_space<semaphore_mem>>) src(%dma_wait3A_182 : memref<80x128xf32, #tpu.memory_space<vmem>>) dst(%dma_wait3A_179 : memref<80x128xf32, #tpu.memory_space<vmem_shared>>)
    %add3A_183 = arith.constant 400 : i32
    %add3A_184 = arith.addi %mul3A_2, %add3A_183 : i32
    %dma_wait3A_185 = arith.constant 0 : i32
    %dma_wait3A_186 = arith.constant 0 : i32
    %dma_wait3A_187 = tpu.memref_slice %arg21[%dma_wait3A_185, %dma_wait3A_186] : memref<80x128xf32, #tpu.memory_space<vmem>> -> memref<80x128xf32, #tpu.memory_space<vmem>>
    %dma_wait3A_188 = arith.constant 0 : i32
    %dma_wait3A_189 = tpu.memref_slice %arg10[%add3A_184, %dma_wait3A_188] : memref<10240x128xf32, #tpu.memory_space<vmem_shared>> -> memref<80x128xf32, #tpu.memory_space<vmem_shared>>
    %dma_wait3A_190 = arith.constant 0 : i32
    %dma_wait3A_191 = tpu.memref_slice %arg10[%add3A_184, %dma_wait3A_190] : memref<10240x128xf32, #tpu.memory_space<vmem_shared>> -> memref<80x128xf32, #tpu.memory_space<vmem_shared>>
    %dma_wait3A_192 = arith.constant 0 : i32
    %dma_wait3A_193 = arith.constant 0 : i32
    %dma_wait3A_194 = tpu.memref_slice %arg21[%dma_wait3A_192, %dma_wait3A_193] : memref<80x128xf32, #tpu.memory_space<vmem>> -> memref<80x128xf32, #tpu.memory_space<vmem>>
    tpu.wait_dma2 semaphore(%arg26 : memref<!tpu.dma_semaphore, #tpu.memory_space<semaphore_mem>>) src(%dma_wait3A_194 : memref<80x128xf32, #tpu.memory_space<vmem>>) dst(%dma_wait3A_191 : memref<80x128xf32, #tpu.memory_space<vmem_shared>>)
    %add3A_195 = arith.constant 480 : i32
    %add3A_196 = arith.addi %mul3A_2, %add3A_195 : i32
    %dma_wait3A_197 = arith.constant 0 : i32
    %dma_wait3A_198 = arith.constant 0 : i32
    %dma_wait3A_199 = tpu.memref_slice %arg21[%dma_wait3A_197, %dma_wait3A_198] : memref<80x128xf32, #tpu.memory_space<vmem>> -> memref<80x128xf32, #tpu.memory_space<vmem>>
    %dma_wait3A_200 = arith.constant 0 : i32
    %dma_wait3A_201 = tpu.memref_slice %arg10[%add3A_196, %dma_wait3A_200] : memref<10240x128xf32, #tpu.memory_space<vmem_shared>> -> memref<80x128xf32, #tpu.memory_space<vmem_shared>>
    %dma_wait3A_202 = arith.constant 0 : i32
    %dma_wait3A_203 = tpu.memref_slice %arg10[%add3A_196, %dma_wait3A_202] : memref<10240x128xf32, #tpu.memory_space<vmem_shared>> -> memref<80x128xf32, #tpu.memory_space<vmem_shared>>
    %dma_wait3A_204 = arith.constant 0 : i32
    %dma_wait3A_205 = arith.constant 0 : i32
    %dma_wait3A_206 = tpu.memref_slice %arg21[%dma_wait3A_204, %dma_wait3A_205] : memref<80x128xf32, #tpu.memory_space<vmem>> -> memref<80x128xf32, #tpu.memory_space<vmem>>
    tpu.wait_dma2 semaphore(%arg26 : memref<!tpu.dma_semaphore, #tpu.memory_space<semaphore_mem>>) src(%dma_wait3A_206 : memref<80x128xf32, #tpu.memory_space<vmem>>) dst(%dma_wait3A_203 : memref<80x128xf32, #tpu.memory_space<vmem_shared>>)
    %add3A_207 = arith.constant 560 : i32
    %add3A_208 = arith.addi %mul3A_2, %add3A_207 : i32
    %dma_wait3A_209 = arith.constant 0 : i32
    %dma_wait3A_210 = arith.constant 0 : i32
    %dma_wait3A_211 = tpu.memref_slice %arg21[%dma_wait3A_209, %dma_wait3A_210] : memref<80x128xf32, #tpu.memory_space<vmem>> -> memref<80x128xf32, #tpu.memory_space<vmem>>
    %dma_wait3A_212 = arith.constant 0 : i32
    %dma_wait3A_213 = tpu.memref_slice %arg10[%add3A_208, %dma_wait3A_212] : memref<10240x128xf32, #tpu.memory_space<vmem_shared>> -> memref<80x128xf32, #tpu.memory_space<vmem_shared>>
    %dma_wait3A_214 = arith.constant 0 : i32
    %dma_wait3A_215 = tpu.memref_slice %arg10[%add3A_208, %dma_wait3A_214] : memref<10240x128xf32, #tpu.memory_space<vmem_shared>> -> memref<80x128xf32, #tpu.memory_space<vmem_shared>>
    %dma_wait3A_216 = arith.constant 0 : i32
    %dma_wait3A_217 = arith.constant 0 : i32
    %dma_wait3A_218 = tpu.memref_slice %arg21[%dma_wait3A_216, %dma_wait3A_217] : memref<80x128xf32, #tpu.memory_space<vmem>> -> memref<80x128xf32, #tpu.memory_space<vmem>>
    tpu.wait_dma2 semaphore(%arg26 : memref<!tpu.dma_semaphore, #tpu.memory_space<semaphore_mem>>) src(%dma_wait3A_218 : memref<80x128xf32, #tpu.memory_space<vmem>>) dst(%dma_wait3A_215 : memref<80x128xf32, #tpu.memory_space<vmem_shared>>)
    %barrier3A = arith.constant 0 : index
    tpu.barrier barrier_id(%barrier3A)
    %add3A_219 = arith.constant 0 : i32
    %add3A_220 = arith.addi %mul3A_4, %add3A_219 : i32
    %dma_wait3A_221 = tpu.memref_slice %arg3[%add3A_220] : memref<320000xi32, #tpu.memory_space<hbm>> -> memref<80xi32, #tpu.memory_space<hbm>>
    %dma_wait3A_222 = tpu.memref_slice %arg3[%add3A_220] : memref<320000xi32, #tpu.memory_space<hbm>> -> memref<80xi32, #tpu.memory_space<hbm>>
    tpu.wait_dma2 semaphore(%arg29 : memref<!tpu.dma_semaphore, #tpu.memory_space<semaphore_mem>>) src(%dma_wait3A_222 : memref<80xi32, #tpu.memory_space<hbm>>) dst(%arg13 : memref<80xi32, #tpu.memory_space<vmem>>)
    %add3A_223 = arith.constant 0 : i32
    %add3A_224 = arith.addi %mul3A_4, %add3A_223 : i32
    %dma_wait3A_225 = tpu.memref_slice %arg4[%add3A_224] : memref<320000xi32, #tpu.memory_space<hbm>> -> memref<80xi32, #tpu.memory_space<hbm>>
    %dma_wait3A_226 = tpu.memref_slice %arg4[%add3A_224] : memref<320000xi32, #tpu.memory_space<hbm>> -> memref<80xi32, #tpu.memory_space<hbm>>
    tpu.wait_dma2 semaphore(%arg29 : memref<!tpu.dma_semaphore, #tpu.memory_space<semaphore_mem>>) src(%dma_wait3A_226 : memref<80xi32, #tpu.memory_space<hbm>>) dst(%arg16 : memref<80xi32, #tpu.memory_space<vmem>>)
    %dma_start3A_227 = arith.constant 0 : i32
    %dma_start3A_228 = arith.constant 0 : i32
    %dma_start3A_229 = tpu.memref_slice %arg2[%dma_start3A_227, %dma_start3A_228] : memref<10000x128xf32, #tpu.memory_space<hbm>> -> memref<10000x128xf32, #tpu.memory_space<hbm>>
    tpu.enqueue_indirect_dma source(%dma_start3A_229 : memref<10000x128xf32, #tpu.memory_space<hbm>>) target(%arg19 : memref<80x128xf32, #tpu.memory_space<vmem>>) offsets(%arg13 : memref<80xi32, #tpu.memory_space<vmem>>) semaphore(%arg23 : memref<!tpu.dma_semaphore, #tpu.memory_space<semaphore_mem>>)
    %add3A_230 = arith.constant 80 : i32
    %add3A_231 = arith.addi %mul3A_4, %add3A_230 : i32
    %dma_wait3A_232 = tpu.memref_slice %arg3[%add3A_231] : memref<320000xi32, #tpu.memory_space<hbm>> -> memref<80xi32, #tpu.memory_space<hbm>>
    %dma_wait3A_233 = tpu.memref_slice %arg3[%add3A_231] : memref<320000xi32, #tpu.memory_space<hbm>> -> memref<80xi32, #tpu.memory_space<hbm>>
    tpu.wait_dma2 semaphore(%arg30 : memref<!tpu.dma_semaphore, #tpu.memory_space<semaphore_mem>>) src(%dma_wait3A_233 : memref<80xi32, #tpu.memory_space<hbm>>) dst(%arg14 : memref<80xi32, #tpu.memory_space<vmem>>)
    %add3A_234 = arith.constant 80 : i32
    %add3A_235 = arith.addi %mul3A_4, %add3A_234 : i32
    %dma_wait3A_236 = tpu.memref_slice %arg4[%add3A_235] : memref<320000xi32, #tpu.memory_space<hbm>> -> memref<80xi32, #tpu.memory_space<hbm>>
    %dma_wait3A_237 = tpu.memref_slice %arg4[%add3A_235] : memref<320000xi32, #tpu.memory_space<hbm>> -> memref<80xi32, #tpu.memory_space<hbm>>
    tpu.wait_dma2 semaphore(%arg30 : memref<!tpu.dma_semaphore, #tpu.memory_space<semaphore_mem>>) src(%dma_wait3A_237 : memref<80xi32, #tpu.memory_space<hbm>>) dst(%arg17 : memref<80xi32, #tpu.memory_space<vmem>>)
    %dma_start3A_238 = arith.constant 0 : i32
    %dma_start3A_239 = arith.constant 0 : i32
    %dma_start3A_240 = tpu.memref_slice %arg2[%dma_start3A_238, %dma_start3A_239] : memref<10000x128xf32, #tpu.memory_space<hbm>> -> memref<10000x128xf32, #tpu.memory_space<hbm>>
    tpu.enqueue_indirect_dma source(%dma_start3A_240 : memref<10000x128xf32, #tpu.memory_space<hbm>>) target(%arg20 : memref<80x128xf32, #tpu.memory_space<vmem>>) offsets(%arg14 : memref<80xi32, #tpu.memory_space<vmem>>) semaphore(%arg24 : memref<!tpu.dma_semaphore, #tpu.memory_space<semaphore_mem>>)
    %scan3A = arith.constant 0 : i32
    %scan3A_241 = arith.constant 40 : i32
    %scan3A_242 = arith.addi %scan3A, %scan3A_241 : i32
    %scan3A_243 = arith.constant 1 : i32
    scf.for %scan3A_608 = %scan3A to %scan3A_242 step %scan3A_243  : i32 {
      %mul3A_609 = arith.constant 3 : i32
      %mul3A_610 = arith.muli %scan3A_608, %mul3A_609 : i32
      %add3A_611 = arith.constant 0 : i32
      %add3A_612 = arith.addi %add3A_611, %mul3A_610 : i32
      %dma_wait3A_613 = arith.constant 0 : i32
      %dma_wait3A_614 = arith.constant 0 : i32
      %dma_wait3A_615 = tpu.memref_slice %arg2[%dma_wait3A_613, %dma_wait3A_614] : memref<10000x128xf32, #tpu.memory_space<hbm>> -> memref<10000x128xf32, #tpu.memory_space<hbm>>
      tpu.wait_indirect_dma semaphore(%arg23 : memref<!tpu.dma_semaphore, #tpu.memory_space<semaphore_mem>>) src(%dma_wait3A_615 : memref<10000x128xf32, #tpu.memory_space<hbm>>) dst(%arg19 : memref<80x128xf32, #tpu.memory_space<vmem>>)
      %dma_start3A_616 = arith.constant 0 : i32
      %dma_start3A_617 = arith.constant 0 : i32
      %dma_start3A_618 = tpu.memref_slice %arg10[%dma_start3A_616, %dma_start3A_617] : memref<10240x128xf32, #tpu.memory_space<vmem_shared>> -> memref<10240x128xf32, #tpu.memory_space<vmem_shared>>
      tpu.enqueue_indirect_dma source(%arg19 : memref<80x128xf32, #tpu.memory_space<vmem>>) target(%dma_start3A_618 : memref<10240x128xf32, #tpu.memory_space<vmem_shared>>) offsets(%arg16 : memref<80xi32, #tpu.memory_space<vmem>>) semaphore(%arg26 : memref<!tpu.dma_semaphore, #tpu.memory_space<semaphore_mem>>) {add = true}
      %dma_start3A_619 = arith.constant 0 : i32
      %dma_start3A_620 = tpu.memref_slice %arg11[%dma_start3A_619] : memref<10240xf32, #tpu.memory_space<vmem_shared>> -> memref<10240xf32, #tpu.memory_space<vmem_shared>>
      tpu.enqueue_indirect_dma source(%arg22 : memref<80xf32, #tpu.memory_space<vmem>>) target(%dma_start3A_620 : memref<10240xf32, #tpu.memory_space<vmem_shared>>) offsets(%arg16 : memref<80xi32, #tpu.memory_space<vmem>>) semaphore(%arg26 : memref<!tpu.dma_semaphore, #tpu.memory_space<semaphore_mem>>) {add = true}
      %add3A_621 = arith.constant 2 : i32
      %add3A_622 = arith.addi %add3A_612, %add3A_621 : i32
      %mul3A_623 = arith.constant 80 : i32
      %mul3A_624 = arith.muli %add3A_622, %mul3A_623 : i32
      %add3A_625 = arith.addi %mul3A_4, %mul3A_624 : i32
      %dma_wait3A_626 = tpu.memref_slice %arg3[%add3A_625] : memref<320000xi32, #tpu.memory_space<hbm>> -> memref<80xi32, #tpu.memory_space<hbm>>
      %dma_wait3A_627 = tpu.memref_slice %arg3[%add3A_625] : memref<320000xi32, #tpu.memory_space<hbm>> -> memref<80xi32, #tpu.memory_space<hbm>>
      tpu.wait_dma2 semaphore(%arg31 : memref<!tpu.dma_semaphore, #tpu.memory_space<semaphore_mem>>) src(%dma_wait3A_627 : memref<80xi32, #tpu.memory_space<hbm>>) dst(%arg15 : memref<80xi32, #tpu.memory_space<vmem>>)
      %mul3A_628 = arith.constant 80 : i32
      %mul3A_629 = arith.muli %add3A_622, %mul3A_628 : i32
      %add3A_630 = arith.addi %mul3A_4, %mul3A_629 : i32
      %dma_wait3A_631 = tpu.memref_slice %arg4[%add3A_630] : memref<320000xi32, #tpu.memory_space<hbm>> -> memref<80xi32, #tpu.memory_space<hbm>>
      %dma_wait3A_632 = tpu.memref_slice %arg4[%add3A_630] : memref<320000xi32, #tpu.memory_space<hbm>> -> memref<80xi32, #tpu.memory_space<hbm>>
      tpu.wait_dma2 semaphore(%arg31 : memref<!tpu.dma_semaphore, #tpu.memory_space<semaphore_mem>>) src(%dma_wait3A_632 : memref<80xi32, #tpu.memory_space<hbm>>) dst(%arg18 : memref<80xi32, #tpu.memory_space<vmem>>)
      %dma_start3A_633 = arith.constant 0 : i32
      %dma_start3A_634 = arith.constant 0 : i32
      %dma_start3A_635 = tpu.memref_slice %arg2[%dma_start3A_633, %dma_start3A_634] : memref<10000x128xf32, #tpu.memory_space<hbm>> -> memref<10000x128xf32, #tpu.memory_space<hbm>>
      tpu.enqueue_indirect_dma source(%dma_start3A_635 : memref<10000x128xf32, #tpu.memory_space<hbm>>) target(%arg21 : memref<80x128xf32, #tpu.memory_space<vmem>>) offsets(%arg15 : memref<80xi32, #tpu.memory_space<vmem>>) semaphore(%arg25 : memref<!tpu.dma_semaphore, #tpu.memory_space<semaphore_mem>>)
      %dma_wait3A_636 = arith.constant 0 : i32
      %dma_wait3A_637 = arith.constant 0 : i32
      %dma_wait3A_638 = tpu.memref_slice %arg2[%dma_wait3A_636, %dma_wait3A_637] : memref<10000x128xf32, #tpu.memory_space<hbm>> -> memref<10000x128xf32, #tpu.memory_space<hbm>>
      tpu.wait_indirect_dma semaphore(%arg24 : memref<!tpu.dma_semaphore, #tpu.memory_space<semaphore_mem>>) src(%dma_wait3A_638 : memref<10000x128xf32, #tpu.memory_space<hbm>>) dst(%arg20 : memref<80x128xf32, #tpu.memory_space<vmem>>)
      %dma_start3A_639 = arith.constant 0 : i32
      %dma_start3A_640 = arith.constant 0 : i32
      %dma_start3A_641 = tpu.memref_slice %arg10[%dma_start3A_639, %dma_start3A_640] : memref<10240x128xf32, #tpu.memory_space<vmem_shared>> -> memref<10240x128xf32, #tpu.memory_space<vmem_shared>>
      tpu.enqueue_indirect_dma source(%arg20 : memref<80x128xf32, #tpu.memory_space<vmem>>) target(%dma_start3A_641 : memref<10240x128xf32, #tpu.memory_space<vmem_shared>>) offsets(%arg17 : memref<80xi32, #tpu.memory_space<vmem>>) semaphore(%arg27 : memref<!tpu.dma_semaphore, #tpu.memory_space<semaphore_mem>>) {add = true}
      %dma_start3A_642 = arith.constant 0 : i32
      %dma_start3A_643 = tpu.memref_slice %arg11[%dma_start3A_642] : memref<10240xf32, #tpu.memory_space<vmem_shared>> -> memref<10240xf32, #tpu.memory_space<vmem_shared>>
      tpu.enqueue_indirect_dma source(%arg22 : memref<80xf32, #tpu.memory_space<vmem>>) target(%dma_start3A_643 : memref<10240xf32, #tpu.memory_space<vmem_shared>>) offsets(%arg17 : memref<80xi32, #tpu.memory_space<vmem>>) semaphore(%arg27 : memref<!tpu.dma_semaphore, #tpu.memory_space<semaphore_mem>>) {add = true}
      %dma_wait3A_644 = arith.constant 0 : i32
      %dma_wait3A_645 = arith.constant 0 : i32
      %dma_wait3A_646 = tpu.memref_slice %arg10[%dma_wait3A_644, %dma_wait3A_645] : memref<10240x128xf32, #tpu.memory_space<vmem_shared>> -> memref<10240x128xf32, #tpu.memory_space<vmem_shared>>
      tpu.wait_indirect_dma semaphore(%arg26 : memref<!tpu.dma_semaphore, #tpu.memory_space<semaphore_mem>>) src(%arg19 : memref<80x128xf32, #tpu.memory_space<vmem>>) dst(%dma_wait3A_646 : memref<10240x128xf32, #tpu.memory_space<vmem_shared>>)
      %dma_wait3A_647 = arith.constant 0 : i32
      %dma_wait3A_648 = tpu.memref_slice %arg11[%dma_wait3A_647] : memref<10240xf32, #tpu.memory_space<vmem_shared>> -> memref<10240xf32, #tpu.memory_space<vmem_shared>>
      tpu.wait_indirect_dma semaphore(%arg26 : memref<!tpu.dma_semaphore, #tpu.memory_space<semaphore_mem>>) src(%arg22 : memref<80xf32, #tpu.memory_space<vmem>>) dst(%dma_wait3A_648 : memref<10240xf32, #tpu.memory_space<vmem_shared>>)
      %add3A_649 = arith.constant 3 : i32
      %add3A_650 = arith.addi %add3A_612, %add3A_649 : i32
      %mul3A_651 = arith.constant 80 : i32
      %mul3A_652 = arith.muli %add3A_650, %mul3A_651 : i32
      %add3A_653 = arith.addi %mul3A_4, %mul3A_652 : i32
      %dma_start3A_654 = tpu.memref_slice %arg3[%add3A_653] : memref<320000xi32, #tpu.memory_space<hbm>> -> memref<80xi32, #tpu.memory_space<hbm>>
      %dma_start3A_655 = tpu.memref_slice %arg3[%add3A_653] : memref<320000xi32, #tpu.memory_space<hbm>> -> memref<80xi32, #tpu.memory_space<hbm>>
      tpu.enqueue_dma source(%dma_start3A_655 : memref<80xi32, #tpu.memory_space<hbm>>) target(%arg13 : memref<80xi32, #tpu.memory_space<vmem>>) target_semaphore(%arg29 : memref<!tpu.dma_semaphore, #tpu.memory_space<semaphore_mem>>)
      %mul3A_656 = arith.constant 80 : i32
      %mul3A_657 = arith.muli %add3A_650, %mul3A_656 : i32
      %add3A_658 = arith.addi %mul3A_4, %mul3A_657 : i32
      %dma_start3A_659 = tpu.memref_slice %arg4[%add3A_658] : memref<320000xi32, #tpu.memory_space<hbm>> -> memref<80xi32, #tpu.memory_space<hbm>>
      %dma_start3A_660 = tpu.memref_slice %arg4[%add3A_658] : memref<320000xi32, #tpu.memory_space<hbm>> -> memref<80xi32, #tpu.memory_space<hbm>>
      tpu.enqueue_dma source(%dma_start3A_660 : memref<80xi32, #tpu.memory_space<hbm>>) target(%arg16 : memref<80xi32, #tpu.memory_space<vmem>>) target_semaphore(%arg29 : memref<!tpu.dma_semaphore, #tpu.memory_space<semaphore_mem>>)
      %dma_wait3A_661 = arith.constant 0 : i32
      %dma_wait3A_662 = arith.constant 0 : i32
      %dma_wait3A_663 = tpu.memref_slice %arg2[%dma_wait3A_661, %dma_wait3A_662] : memref<10000x128xf32, #tpu.memory_space<hbm>> -> memref<10000x128xf32, #tpu.memory_space<hbm>>
      tpu.wait_indirect_dma semaphore(%arg25 : memref<!tpu.dma_semaphore, #tpu.memory_space<semaphore_mem>>) src(%dma_wait3A_663 : memref<10000x128xf32, #tpu.memory_space<hbm>>) dst(%arg21 : memref<80x128xf32, #tpu.memory_space<vmem>>)
      %dma_start3A_664 = arith.constant 0 : i32
      %dma_start3A_665 = arith.constant 0 : i32
      %dma_start3A_666 = tpu.memref_slice %arg10[%dma_start3A_664, %dma_start3A_665] : memref<10240x128xf32, #tpu.memory_space<vmem_shared>> -> memref<10240x128xf32, #tpu.memory_space<vmem_shared>>
      tpu.enqueue_indirect_dma source(%arg21 : memref<80x128xf32, #tpu.memory_space<vmem>>) target(%dma_start3A_666 : memref<10240x128xf32, #tpu.memory_space<vmem_shared>>) offsets(%arg18 : memref<80xi32, #tpu.memory_space<vmem>>) semaphore(%arg28 : memref<!tpu.dma_semaphore, #tpu.memory_space<semaphore_mem>>) {add = true}
      %dma_start3A_667 = arith.constant 0 : i32
      %dma_start3A_668 = tpu.memref_slice %arg11[%dma_start3A_667] : memref<10240xf32, #tpu.memory_space<vmem_shared>> -> memref<10240xf32, #tpu.memory_space<vmem_shared>>
      tpu.enqueue_indirect_dma source(%arg22 : memref<80xf32, #tpu.memory_space<vmem>>) target(%dma_start3A_668 : memref<10240xf32, #tpu.memory_space<vmem_shared>>) offsets(%arg18 : memref<80xi32, #tpu.memory_space<vmem>>) semaphore(%arg28 : memref<!tpu.dma_semaphore, #tpu.memory_space<semaphore_mem>>) {add = true}
      %dma_wait3A_669 = arith.constant 0 : i32
      %dma_wait3A_670 = arith.constant 0 : i32
      %dma_wait3A_671 = tpu.memref_slice %arg10[%dma_wait3A_669, %dma_wait3A_670] : memref<10240x128xf32, #tpu.memory_space<vmem_shared>> -> memref<10240x128xf32, #tpu.memory_space<vmem_shared>>
      tpu.wait_indirect_dma semaphore(%arg27 : memref<!tpu.dma_semaphore, #tpu.memory_space<semaphore_mem>>) src(%arg20 : memref<80x128xf32, #tpu.memory_space<vmem>>) dst(%dma_wait3A_671 : memref<10240x128xf32, #tpu.memory_space<vmem_shared>>)
      %dma_wait3A_672 = arith.constant 0 : i32
      %dma_wait3A_673 = tpu.memref_slice %arg11[%dma_wait3A_672] : memref<10240xf32, #tpu.memory_space<vmem_shared>> -> memref<10240xf32, #tpu.memory_space<vmem_shared>>
      tpu.wait_indirect_dma semaphore(%arg27 : memref<!tpu.dma_semaphore, #tpu.memory_space<semaphore_mem>>) src(%arg22 : memref<80xf32, #tpu.memory_space<vmem>>) dst(%dma_wait3A_673 : memref<10240xf32, #tpu.memory_space<vmem_shared>>)
      %add3A_674 = arith.constant 4 : i32
      %add3A_675 = arith.addi %add3A_612, %add3A_674 : i32
      %mul3A_676 = arith.constant 80 : i32
      %mul3A_677 = arith.muli %add3A_675, %mul3A_676 : i32
      %add3A_678 = arith.addi %mul3A_4, %mul3A_677 : i32
      %dma_start3A_679 = tpu.memref_slice %arg3[%add3A_678] : memref<320000xi32, #tpu.memory_space<hbm>> -> memref<80xi32, #tpu.memory_space<hbm>>
      %dma_start3A_680 = tpu.memref_slice %arg3[%add3A_678] : memref<320000xi32, #tpu.memory_space<hbm>> -> memref<80xi32, #tpu.memory_space<hbm>>
      tpu.enqueue_dma source(%dma_start3A_680 : memref<80xi32, #tpu.memory_space<hbm>>) target(%arg14 : memref<80xi32, #tpu.memory_space<vmem>>) target_semaphore(%arg30 : memref<!tpu.dma_semaphore, #tpu.memory_space<semaphore_mem>>)
      %mul3A_681 = arith.constant 80 : i32
      %mul3A_682 = arith.muli %add3A_675, %mul3A_681 : i32
      %add3A_683 = arith.addi %mul3A_4, %mul3A_682 : i32
      %dma_start3A_684 = tpu.memref_slice %arg4[%add3A_683] : memref<320000xi32, #tpu.memory_space<hbm>> -> memref<80xi32, #tpu.memory_space<hbm>>
      %dma_start3A_685 = tpu.memref_slice %arg4[%add3A_683] : memref<320000xi32, #tpu.memory_space<hbm>> -> memref<80xi32, #tpu.memory_space<hbm>>
      tpu.enqueue_dma source(%dma_start3A_685 : memref<80xi32, #tpu.memory_space<hbm>>) target(%arg17 : memref<80xi32, #tpu.memory_space<vmem>>) target_semaphore(%arg30 : memref<!tpu.dma_semaphore, #tpu.memory_space<semaphore_mem>>)
      %add3A_686 = arith.constant 3 : i32
      %add3A_687 = arith.addi %add3A_612, %add3A_686 : i32
      %mul3A_688 = arith.constant 80 : i32
      %mul3A_689 = arith.muli %add3A_687, %mul3A_688 : i32
      %add3A_690 = arith.addi %mul3A_4, %mul3A_689 : i32
      %dma_wait3A_691 = tpu.memref_slice %arg3[%add3A_690] : memref<320000xi32, #tpu.memory_space<hbm>> -> memref<80xi32, #tpu.memory_space<hbm>>
      %dma_wait3A_692 = tpu.memref_slice %arg3[%add3A_690] : memref<320000xi32, #tpu.memory_space<hbm>> -> memref<80xi32, #tpu.memory_space<hbm>>
      tpu.wait_dma2 semaphore(%arg29 : memref<!tpu.dma_semaphore, #tpu.memory_space<semaphore_mem>>) src(%dma_wait3A_692 : memref<80xi32, #tpu.memory_space<hbm>>) dst(%arg13 : memref<80xi32, #tpu.memory_space<vmem>>)
      %mul3A_693 = arith.constant 80 : i32
      %mul3A_694 = arith.muli %add3A_687, %mul3A_693 : i32
      %add3A_695 = arith.addi %mul3A_4, %mul3A_694 : i32
      %dma_wait3A_696 = tpu.memref_slice %arg4[%add3A_695] : memref<320000xi32, #tpu.memory_space<hbm>> -> memref<80xi32, #tpu.memory_space<hbm>>
      %dma_wait3A_697 = tpu.memref_slice %arg4[%add3A_695] : memref<320000xi32, #tpu.memory_space<hbm>> -> memref<80xi32, #tpu.memory_space<hbm>>
      tpu.wait_dma2 semaphore(%arg29 : memref<!tpu.dma_semaphore, #tpu.memory_space<semaphore_mem>>) src(%dma_wait3A_697 : memref<80xi32, #tpu.memory_space<hbm>>) dst(%arg16 : memref<80xi32, #tpu.memory_space<vmem>>)
      %dma_start3A_698 = arith.constant 0 : i32
      %dma_start3A_699 = arith.constant 0 : i32
      %dma_start3A_700 = tpu.memref_slice %arg2[%dma_start3A_698, %dma_start3A_699] : memref<10000x128xf32, #tpu.memory_space<hbm>> -> memref<10000x128xf32, #tpu.memory_space<hbm>>
      tpu.enqueue_indirect_dma source(%dma_start3A_700 : memref<10000x128xf32, #tpu.memory_space<hbm>>) target(%arg19 : memref<80x128xf32, #tpu.memory_space<vmem>>) offsets(%arg13 : memref<80xi32, #tpu.memory_space<vmem>>) semaphore(%arg23 : memref<!tpu.dma_semaphore, #tpu.memory_space<semaphore_mem>>)
      %dma_wait3A_701 = arith.constant 0 : i32
      %dma_wait3A_702 = arith.constant 0 : i32
      %dma_wait3A_703 = tpu.memref_slice %arg10[%dma_wait3A_701, %dma_wait3A_702] : memref<10240x128xf32, #tpu.memory_space<vmem_shared>> -> memref<10240x128xf32, #tpu.memory_space<vmem_shared>>
      tpu.wait_indirect_dma semaphore(%arg28 : memref<!tpu.dma_semaphore, #tpu.memory_space<semaphore_mem>>) src(%arg21 : memref<80x128xf32, #tpu.memory_space<vmem>>) dst(%dma_wait3A_703 : memref<10240x128xf32, #tpu.memory_space<vmem_shared>>)
      %dma_wait3A_704 = arith.constant 0 : i32
      %dma_wait3A_705 = tpu.memref_slice %arg11[%dma_wait3A_704] : memref<10240xf32, #tpu.memory_space<vmem_shared>> -> memref<10240xf32, #tpu.memory_space<vmem_shared>>
      tpu.wait_indirect_dma semaphore(%arg28 : memref<!tpu.dma_semaphore, #tpu.memory_space<semaphore_mem>>) src(%arg22 : memref<80xf32, #tpu.memory_space<vmem>>) dst(%dma_wait3A_705 : memref<10240xf32, #tpu.memory_space<vmem_shared>>)
      %add3A_706 = arith.constant 5 : i32
      %add3A_707 = arith.addi %add3A_612, %add3A_706 : i32
      %mul3A_708 = arith.constant 80 : i32
      %mul3A_709 = arith.muli %add3A_707, %mul3A_708 : i32
      %add3A_710 = arith.addi %mul3A_4, %mul3A_709 : i32
      %dma_start3A_711 = tpu.memref_slice %arg3[%add3A_710] : memref<320000xi32, #tpu.memory_space<hbm>> -> memref<80xi32, #tpu.memory_space<hbm>>
      %dma_start3A_712 = tpu.memref_slice %arg3[%add3A_710] : memref<320000xi32, #tpu.memory_space<hbm>> -> memref<80xi32, #tpu.memory_space<hbm>>
      tpu.enqueue_dma source(%dma_start3A_712 : memref<80xi32, #tpu.memory_space<hbm>>) target(%arg15 : memref<80xi32, #tpu.memory_space<vmem>>) target_semaphore(%arg31 : memref<!tpu.dma_semaphore, #tpu.memory_space<semaphore_mem>>)
      %mul3A_713 = arith.constant 80 : i32
      %mul3A_714 = arith.muli %add3A_707, %mul3A_713 : i32
      %add3A_715 = arith.addi %mul3A_4, %mul3A_714 : i32
      %dma_start3A_716 = tpu.memref_slice %arg4[%add3A_715] : memref<320000xi32, #tpu.memory_space<hbm>> -> memref<80xi32, #tpu.memory_space<hbm>>
      %dma_start3A_717 = tpu.memref_slice %arg4[%add3A_715] : memref<320000xi32, #tpu.memory_space<hbm>> -> memref<80xi32, #tpu.memory_space<hbm>>
      tpu.enqueue_dma source(%dma_start3A_717 : memref<80xi32, #tpu.memory_space<hbm>>) target(%arg18 : memref<80xi32, #tpu.memory_space<vmem>>) target_semaphore(%arg31 : memref<!tpu.dma_semaphore, #tpu.memory_space<semaphore_mem>>)
      %add3A_718 = arith.constant 4 : i32
      %add3A_719 = arith.addi %add3A_612, %add3A_718 : i32
      %mul3A_720 = arith.constant 80 : i32
      %mul3A_721 = arith.muli %add3A_719, %mul3A_720 : i32
      %add3A_722 = arith.addi %mul3A_4, %mul3A_721 : i32
      %dma_wait3A_723 = tpu.memref_slice %arg3[%add3A_722] : memref<320000xi32, #tpu.memory_space<hbm>> -> memref<80xi32, #tpu.memory_space<hbm>>
      %dma_wait3A_724 = tpu.memref_slice %arg3[%add3A_722] : memref<320000xi32, #tpu.memory_space<hbm>> -> memref<80xi32, #tpu.memory_space<hbm>>
      tpu.wait_dma2 semaphore(%arg30 : memref<!tpu.dma_semaphore, #tpu.memory_space<semaphore_mem>>) src(%dma_wait3A_724 : memref<80xi32, #tpu.memory_space<hbm>>) dst(%arg14 : memref<80xi32, #tpu.memory_space<vmem>>)
      %mul3A_725 = arith.constant 80 : i32
      %mul3A_726 = arith.muli %add3A_719, %mul3A_725 : i32
      %add3A_727 = arith.addi %mul3A_4, %mul3A_726 : i32
      %dma_wait3A_728 = tpu.memref_slice %arg4[%add3A_727] : memref<320000xi32, #tpu.memory_space<hbm>> -> memref<80xi32, #tpu.memory_space<hbm>>
      %dma_wait3A_729 = tpu.memref_slice %arg4[%add3A_727] : memref<320000xi32, #tpu.memory_space<hbm>> -> memref<80xi32, #tpu.memory_space<hbm>>
      tpu.wait_dma2 semaphore(%arg30 : memref<!tpu.dma_semaphore, #tpu.memory_space<semaphore_mem>>) src(%dma_wait3A_729 : memref<80xi32, #tpu.memory_space<hbm>>) dst(%arg17 : memref<80xi32, #tpu.memory_space<vmem>>)
      %dma_start3A_730 = arith.constant 0 : i32
      %dma_start3A_731 = arith.constant 0 : i32
      %dma_start3A_732 = tpu.memref_slice %arg2[%dma_start3A_730, %dma_start3A_731] : memref<10000x128xf32, #tpu.memory_space<hbm>> -> memref<10000x128xf32, #tpu.memory_space<hbm>>
      tpu.enqueue_indirect_dma source(%dma_start3A_732 : memref<10000x128xf32, #tpu.memory_space<hbm>>) target(%arg20 : memref<80x128xf32, #tpu.memory_space<vmem>>) offsets(%arg14 : memref<80xi32, #tpu.memory_space<vmem>>) semaphore(%arg24 : memref<!tpu.dma_semaphore, #tpu.memory_space<semaphore_mem>>)
    }
    %scan3A_244 = arith.constant 40 : i32
    %dma_wait3A_245 = arith.constant 0 : i32
    %dma_wait3A_246 = arith.constant 0 : i32
    %dma_wait3A_247 = tpu.memref_slice %arg2[%dma_wait3A_245, %dma_wait3A_246] : memref<10000x128xf32, #tpu.memory_space<hbm>> -> memref<10000x128xf32, #tpu.memory_space<hbm>>
    tpu.wait_indirect_dma semaphore(%arg23 : memref<!tpu.dma_semaphore, #tpu.memory_space<semaphore_mem>>) src(%dma_wait3A_247 : memref<10000x128xf32, #tpu.memory_space<hbm>>) dst(%arg19 : memref<80x128xf32, #tpu.memory_space<vmem>>)
    %dma_start3A_248 = arith.constant 0 : i32
    %dma_start3A_249 = arith.constant 0 : i32
    %dma_start3A_250 = tpu.memref_slice %arg10[%dma_start3A_248, %dma_start3A_249] : memref<10240x128xf32, #tpu.memory_space<vmem_shared>> -> memref<10240x128xf32, #tpu.memory_space<vmem_shared>>
    tpu.enqueue_indirect_dma source(%arg19 : memref<80x128xf32, #tpu.memory_space<vmem>>) target(%dma_start3A_250 : memref<10240x128xf32, #tpu.memory_space<vmem_shared>>) offsets(%arg16 : memref<80xi32, #tpu.memory_space<vmem>>) semaphore(%arg26 : memref<!tpu.dma_semaphore, #tpu.memory_space<semaphore_mem>>) {add = true}
    %dma_start3A_251 = arith.constant 0 : i32
    %dma_start3A_252 = tpu.memref_slice %arg11[%dma_start3A_251] : memref<10240xf32, #tpu.memory_space<vmem_shared>> -> memref<10240xf32, #tpu.memory_space<vmem_shared>>
    tpu.enqueue_indirect_dma source(%arg22 : memref<80xf32, #tpu.memory_space<vmem>>) target(%dma_start3A_252 : memref<10240xf32, #tpu.memory_space<vmem_shared>>) offsets(%arg16 : memref<80xi32, #tpu.memory_space<vmem>>) semaphore(%arg26 : memref<!tpu.dma_semaphore, #tpu.memory_space<semaphore_mem>>) {add = true}
    %add3A_253 = arith.constant 9760 : i32
    %add3A_254 = arith.addi %mul3A_4, %add3A_253 : i32
    %dma_wait3A_255 = tpu.memref_slice %arg3[%add3A_254] : memref<320000xi32, #tpu.memory_space<hbm>> -> memref<80xi32, #tpu.memory_space<hbm>>
    %dma_wait3A_256 = tpu.memref_slice %arg3[%add3A_254] : memref<320000xi32, #tpu.memory_space<hbm>> -> memref<80xi32, #tpu.memory_space<hbm>>
    tpu.wait_dma2 semaphore(%arg31 : memref<!tpu.dma_semaphore, #tpu.memory_space<semaphore_mem>>) src(%dma_wait3A_256 : memref<80xi32, #tpu.memory_space<hbm>>) dst(%arg15 : memref<80xi32, #tpu.memory_space<vmem>>)
    %add3A_257 = arith.constant 9760 : i32
    %add3A_258 = arith.addi %mul3A_4, %add3A_257 : i32
    %dma_wait3A_259 = tpu.memref_slice %arg4[%add3A_258] : memref<320000xi32, #tpu.memory_space<hbm>> -> memref<80xi32, #tpu.memory_space<hbm>>
    %dma_wait3A_260 = tpu.memref_slice %arg4[%add3A_258] : memref<320000xi32, #tpu.memory_space<hbm>> -> memref<80xi32, #tpu.memory_space<hbm>>
    tpu.wait_dma2 semaphore(%arg31 : memref<!tpu.dma_semaphore, #tpu.memory_space<semaphore_mem>>) src(%dma_wait3A_260 : memref<80xi32, #tpu.memory_space<hbm>>) dst(%arg18 : memref<80xi32, #tpu.memory_space<vmem>>)
    %dma_start3A_261 = arith.constant 0 : i32
    %dma_start3A_262 = arith.constant 0 : i32
    %dma_start3A_263 = tpu.memref_slice %arg2[%dma_start3A_261, %dma_start3A_262] : memref<10000x128xf32, #tpu.memory_space<hbm>> -> memref<10000x128xf32, #tpu.memory_space<hbm>>
    tpu.enqueue_indirect_dma source(%dma_start3A_263 : memref<10000x128xf32, #tpu.memory_space<hbm>>) target(%arg21 : memref<80x128xf32, #tpu.memory_space<vmem>>) offsets(%arg15 : memref<80xi32, #tpu.memory_space<vmem>>) semaphore(%arg25 : memref<!tpu.dma_semaphore, #tpu.memory_space<semaphore_mem>>)
    %dma_wait3A_264 = arith.constant 0 : i32
    %dma_wait3A_265 = arith.constant 0 : i32
    %dma_wait3A_266 = tpu.memref_slice %arg2[%dma_wait3A_264, %dma_wait3A_265] : memref<10000x128xf32, #tpu.memory_space<hbm>> -> memref<10000x128xf32, #tpu.memory_space<hbm>>
    tpu.wait_indirect_dma semaphore(%arg24 : memref<!tpu.dma_semaphore, #tpu.memory_space<semaphore_mem>>) src(%dma_wait3A_266 : memref<10000x128xf32, #tpu.memory_space<hbm>>) dst(%arg20 : memref<80x128xf32, #tpu.memory_space<vmem>>)
    %dma_start3A_267 = arith.constant 0 : i32
    %dma_start3A_268 = arith.constant 0 : i32
    %dma_start3A_269 = tpu.memref_slice %arg10[%dma_start3A_267, %dma_start3A_268] : memref<10240x128xf32, #tpu.memory_space<vmem_shared>> -> memref<10240x128xf32, #tpu.memory_space<vmem_shared>>
    tpu.enqueue_indirect_dma source(%arg20 : memref<80x128xf32, #tpu.memory_space<vmem>>) target(%dma_start3A_269 : memref<10240x128xf32, #tpu.memory_space<vmem_shared>>) offsets(%arg17 : memref<80xi32, #tpu.memory_space<vmem>>) semaphore(%arg27 : memref<!tpu.dma_semaphore, #tpu.memory_space<semaphore_mem>>) {add = true}
    %dma_start3A_270 = arith.constant 0 : i32
    %dma_start3A_271 = tpu.memref_slice %arg11[%dma_start3A_270] : memref<10240xf32, #tpu.memory_space<vmem_shared>> -> memref<10240xf32, #tpu.memory_space<vmem_shared>>
    tpu.enqueue_indirect_dma source(%arg22 : memref<80xf32, #tpu.memory_space<vmem>>) target(%dma_start3A_271 : memref<10240xf32, #tpu.memory_space<vmem_shared>>) offsets(%arg17 : memref<80xi32, #tpu.memory_space<vmem>>) semaphore(%arg27 : memref<!tpu.dma_semaphore, #tpu.memory_space<semaphore_mem>>) {add = true}
    %dma_wait3A_272 = arith.constant 0 : i32
    %dma_wait3A_273 = arith.constant 0 : i32
    %dma_wait3A_274 = tpu.memref_slice %arg10[%dma_wait3A_272, %dma_wait3A_273] : memref<10240x128xf32, #tpu.memory_space<vmem_shared>> -> memref<10240x128xf32, #tpu.memory_space<vmem_shared>>
    tpu.wait_indirect_dma semaphore(%arg26 : memref<!tpu.dma_semaphore, #tpu.memory_space<semaphore_mem>>) src(%arg19 : memref<80x128xf32, #tpu.memory_space<vmem>>) dst(%dma_wait3A_274 : memref<10240x128xf32, #tpu.memory_space<vmem_shared>>)
    %dma_wait3A_275 = arith.constant 0 : i32
    %dma_wait3A_276 = tpu.memref_slice %arg11[%dma_wait3A_275] : memref<10240xf32, #tpu.memory_space<vmem_shared>> -> memref<10240xf32, #tpu.memory_space<vmem_shared>>
    tpu.wait_indirect_dma semaphore(%arg26 : memref<!tpu.dma_semaphore, #tpu.memory_space<semaphore_mem>>) src(%arg22 : memref<80xf32, #tpu.memory_space<vmem>>) dst(%dma_wait3A_276 : memref<10240xf32, #tpu.memory_space<vmem_shared>>)
    %add3A_277 = arith.constant 9840 : i32
    %add3A_278 = arith.addi %mul3A_4, %add3A_277 : i32
    %dma_start3A_279 = tpu.memref_slice %arg3[%add3A_278] : memref<320000xi32, #tpu.memory_space<hbm>> -> memref<80xi32, #tpu.memory_space<hbm>>
    %dma_start3A_280 = tpu.memref_slice %arg3[%add3A_278] : memref<320000xi32, #tpu.memory_space<hbm>> -> memref<80xi32, #tpu.memory_space<hbm>>
    tpu.enqueue_dma source(%dma_start3A_280 : memref<80xi32, #tpu.memory_space<hbm>>) target(%arg13 : memref<80xi32, #tpu.memory_space<vmem>>) target_semaphore(%arg29 : memref<!tpu.dma_semaphore, #tpu.memory_space<semaphore_mem>>)
    %add3A_281 = arith.constant 9840 : i32
    %add3A_282 = arith.addi %mul3A_4, %add3A_281 : i32
    %dma_start3A_283 = tpu.memref_slice %arg4[%add3A_282] : memref<320000xi32, #tpu.memory_space<hbm>> -> memref<80xi32, #tpu.memory_space<hbm>>
    %dma_start3A_284 = tpu.memref_slice %arg4[%add3A_282] : memref<320000xi32, #tpu.memory_space<hbm>> -> memref<80xi32, #tpu.memory_space<hbm>>
    tpu.enqueue_dma source(%dma_start3A_284 : memref<80xi32, #tpu.memory_space<hbm>>) target(%arg16 : memref<80xi32, #tpu.memory_space<vmem>>) target_semaphore(%arg29 : memref<!tpu.dma_semaphore, #tpu.memory_space<semaphore_mem>>)
    %add3A_285 = arith.constant 9840 : i32
    %add3A_286 = arith.addi %mul3A_4, %add3A_285 : i32
    %dma_wait3A_287 = tpu.memref_slice %arg3[%add3A_286] : memref<320000xi32, #tpu.memory_space<hbm>> -> memref<80xi32, #tpu.memory_space<hbm>>
    %dma_wait3A_288 = tpu.memref_slice %arg3[%add3A_286] : memref<320000xi32, #tpu.memory_space<hbm>> -> memref<80xi32, #tpu.memory_space<hbm>>
    tpu.wait_dma2 semaphore(%arg29 : memref<!tpu.dma_semaphore, #tpu.memory_space<semaphore_mem>>) src(%dma_wait3A_288 : memref<80xi32, #tpu.memory_space<hbm>>) dst(%arg13 : memref<80xi32, #tpu.memory_space<vmem>>)
    %add3A_289 = arith.constant 9840 : i32
    %add3A_290 = arith.addi %mul3A_4, %add3A_289 : i32
    %dma_wait3A_291 = tpu.memref_slice %arg4[%add3A_290] : memref<320000xi32, #tpu.memory_space<hbm>> -> memref<80xi32, #tpu.memory_space<hbm>>
    %dma_wait3A_292 = tpu.memref_slice %arg4[%add3A_290] : memref<320000xi32, #tpu.memory_space<hbm>> -> memref<80xi32, #tpu.memory_space<hbm>>
    tpu.wait_dma2 semaphore(%arg29 : memref<!tpu.dma_semaphore, #tpu.memory_space<semaphore_mem>>) src(%dma_wait3A_292 : memref<80xi32, #tpu.memory_space<hbm>>) dst(%arg16 : memref<80xi32, #tpu.memory_space<vmem>>)
    %dma_start3A_293 = arith.constant 0 : i32
    %dma_start3A_294 = arith.constant 0 : i32
    %dma_start3A_295 = tpu.memref_slice %arg2[%dma_start3A_293, %dma_start3A_294] : memref<10000x128xf32, #tpu.memory_space<hbm>> -> memref<10000x128xf32, #tpu.memory_space<hbm>>
    tpu.enqueue_indirect_dma source(%dma_start3A_295 : memref<10000x128xf32, #tpu.memory_space<hbm>>) target(%arg19 : memref<80x128xf32, #tpu.memory_space<vmem>>) offsets(%arg13 : memref<80xi32, #tpu.memory_space<vmem>>) semaphore(%arg23 : memref<!tpu.dma_semaphore, #tpu.memory_space<semaphore_mem>>)
    %dma_wait3A_296 = arith.constant 0 : i32
    %dma_wait3A_297 = arith.constant 0 : i32
    %dma_wait3A_298 = tpu.memref_slice %arg2[%dma_wait3A_296, %dma_wait3A_297] : memref<10000x128xf32, #tpu.memory_space<hbm>> -> memref<10000x128xf32, #tpu.memory_space<hbm>>
    tpu.wait_indirect_dma semaphore(%arg25 : memref<!tpu.dma_semaphore, #tpu.memory_space<semaphore_mem>>) src(%dma_wait3A_298 : memref<10000x128xf32, #tpu.memory_space<hbm>>) dst(%arg21 : memref<80x128xf32, #tpu.memory_space<vmem>>)
    %dma_start3A_299 = arith.constant 0 : i32
    %dma_start3A_300 = arith.constant 0 : i32
    %dma_start3A_301 = tpu.memref_slice %arg10[%dma_start3A_299, %dma_start3A_300] : memref<10240x128xf32, #tpu.memory_space<vmem_shared>> -> memref<10240x128xf32, #tpu.memory_space<vmem_shared>>
    tpu.enqueue_indirect_dma source(%arg21 : memref<80x128xf32, #tpu.memory_space<vmem>>) target(%dma_start3A_301 : memref<10240x128xf32, #tpu.memory_space<vmem_shared>>) offsets(%arg18 : memref<80xi32, #tpu.memory_space<vmem>>) semaphore(%arg28 : memref<!tpu.dma_semaphore, #tpu.memory_space<semaphore_mem>>) {add = true}
    %dma_start3A_302 = arith.constant 0 : i32
    %dma_start3A_303 = tpu.memref_slice %arg11[%dma_start3A_302] : memref<10240xf32, #tpu.memory_space<vmem_shared>> -> memref<10240xf32, #tpu.memory_space<vmem_shared>>
    tpu.enqueue_indirect_dma source(%arg22 : memref<80xf32, #tpu.memory_space<vmem>>) target(%dma_start3A_303 : memref<10240xf32, #tpu.memory_space<vmem_shared>>) offsets(%arg18 : memref<80xi32, #tpu.memory_space<vmem>>) semaphore(%arg28 : memref<!tpu.dma_semaphore, #tpu.memory_space<semaphore_mem>>) {add = true}
    %dma_wait3A_304 = arith.constant 0 : i32
    %dma_wait3A_305 = arith.constant 0 : i32
    %dma_wait3A_306 = tpu.memref_slice %arg10[%dma_wait3A_304, %dma_wait3A_305] : memref<10240x128xf32, #tpu.memory_space<vmem_shared>> -> memref<10240x128xf32, #tpu.memory_space<vmem_shared>>
    tpu.wait_indirect_dma semaphore(%arg27 : memref<!tpu.dma_semaphore, #tpu.memory_space<semaphore_mem>>) src(%arg20 : memref<80x128xf32, #tpu.memory_space<vmem>>) dst(%dma_wait3A_306 : memref<10240x128xf32, #tpu.memory_space<vmem_shared>>)
    %dma_wait3A_307 = arith.constant 0 : i32
    %dma_wait3A_308 = tpu.memref_slice %arg11[%dma_wait3A_307] : memref<10240xf32, #tpu.memory_space<vmem_shared>> -> memref<10240xf32, #tpu.memory_space<vmem_shared>>
    tpu.wait_indirect_dma semaphore(%arg27 : memref<!tpu.dma_semaphore, #tpu.memory_space<semaphore_mem>>) src(%arg22 : memref<80xf32, #tpu.memory_space<vmem>>) dst(%dma_wait3A_308 : memref<10240xf32, #tpu.memory_space<vmem_shared>>)
    %add3A_309 = arith.constant 9920 : i32
    %add3A_310 = arith.addi %mul3A_4, %add3A_309 : i32
    %dma_start3A_311 = tpu.memref_slice %arg3[%add3A_310] : memref<320000xi32, #tpu.memory_space<hbm>> -> memref<80xi32, #tpu.memory_space<hbm>>
    %dma_start3A_312 = tpu.memref_slice %arg3[%add3A_310] : memref<320000xi32, #tpu.memory_space<hbm>> -> memref<80xi32, #tpu.memory_space<hbm>>
    tpu.enqueue_dma source(%dma_start3A_312 : memref<80xi32, #tpu.memory_space<hbm>>) target(%arg14 : memref<80xi32, #tpu.memory_space<vmem>>) target_semaphore(%arg30 : memref<!tpu.dma_semaphore, #tpu.memory_space<semaphore_mem>>)
    %add3A_313 = arith.constant 9920 : i32
    %add3A_314 = arith.addi %mul3A_4, %add3A_313 : i32
    %dma_start3A_315 = tpu.memref_slice %arg4[%add3A_314] : memref<320000xi32, #tpu.memory_space<hbm>> -> memref<80xi32, #tpu.memory_space<hbm>>
    %dma_start3A_316 = tpu.memref_slice %arg4[%add3A_314] : memref<320000xi32, #tpu.memory_space<hbm>> -> memref<80xi32, #tpu.memory_space<hbm>>
    tpu.enqueue_dma source(%dma_start3A_316 : memref<80xi32, #tpu.memory_space<hbm>>) target(%arg17 : memref<80xi32, #tpu.memory_space<vmem>>) target_semaphore(%arg30 : memref<!tpu.dma_semaphore, #tpu.memory_space<semaphore_mem>>)
    %add3A_317 = arith.constant 9920 : i32
    %add3A_318 = arith.addi %mul3A_4, %add3A_317 : i32
    %dma_wait3A_319 = tpu.memref_slice %arg3[%add3A_318] : memref<320000xi32, #tpu.memory_space<hbm>> -> memref<80xi32, #tpu.memory_space<hbm>>
    %dma_wait3A_320 = tpu.memref_slice %arg3[%add3A_318] : memref<320000xi32, #tpu.memory_space<hbm>> -> memref<80xi32, #tpu.memory_space<hbm>>
    tpu.wait_dma2 semaphore(%arg30 : memref<!tpu.dma_semaphore, #tpu.memory_space<semaphore_mem>>) src(%dma_wait3A_320 : memref<80xi32, #tpu.memory_space<hbm>>) dst(%arg14 : memref<80xi32, #tpu.memory_space<vmem>>)
    %add3A_321 = arith.constant 9920 : i32
    %add3A_322 = arith.addi %mul3A_4, %add3A_321 : i32
    %dma_wait3A_323 = tpu.memref_slice %arg4[%add3A_322] : memref<320000xi32, #tpu.memory_space<hbm>> -> memref<80xi32, #tpu.memory_space<hbm>>
    %dma_wait3A_324 = tpu.memref_slice %arg4[%add3A_322] : memref<320000xi32, #tpu.memory_space<hbm>> -> memref<80xi32, #tpu.memory_space<hbm>>
    tpu.wait_dma2 semaphore(%arg30 : memref<!tpu.dma_semaphore, #tpu.memory_space<semaphore_mem>>) src(%dma_wait3A_324 : memref<80xi32, #tpu.memory_space<hbm>>) dst(%arg17 : memref<80xi32, #tpu.memory_space<vmem>>)
    %dma_start3A_325 = arith.constant 0 : i32
    %dma_start3A_326 = arith.constant 0 : i32
    %dma_start3A_327 = tpu.memref_slice %arg2[%dma_start3A_325, %dma_start3A_326] : memref<10000x128xf32, #tpu.memory_space<hbm>> -> memref<10000x128xf32, #tpu.memory_space<hbm>>
    tpu.enqueue_indirect_dma source(%dma_start3A_327 : memref<10000x128xf32, #tpu.memory_space<hbm>>) target(%arg20 : memref<80x128xf32, #tpu.memory_space<vmem>>) offsets(%arg14 : memref<80xi32, #tpu.memory_space<vmem>>) semaphore(%arg24 : memref<!tpu.dma_semaphore, #tpu.memory_space<semaphore_mem>>)
    %dma_wait3A_328 = arith.constant 0 : i32
    %dma_wait3A_329 = arith.constant 0 : i32
    %dma_wait3A_330 = tpu.memref_slice %arg2[%dma_wait3A_328, %dma_wait3A_329] : memref<10000x128xf32, #tpu.memory_space<hbm>> -> memref<10000x128xf32, #tpu.memory_space<hbm>>
    tpu.wait_indirect_dma semaphore(%arg23 : memref<!tpu.dma_semaphore, #tpu.memory_space<semaphore_mem>>) src(%dma_wait3A_330 : memref<10000x128xf32, #tpu.memory_space<hbm>>) dst(%arg19 : memref<80x128xf32, #tpu.memory_space<vmem>>)
    %dma_start3A_331 = arith.constant 0 : i32
    %dma_start3A_332 = arith.constant 0 : i32
    %dma_start3A_333 = tpu.memref_slice %arg10[%dma_start3A_331, %dma_start3A_332] : memref<10240x128xf32, #tpu.memory_space<vmem_shared>> -> memref<10240x128xf32, #tpu.memory_space<vmem_shared>>
    tpu.enqueue_indirect_dma source(%arg19 : memref<80x128xf32, #tpu.memory_space<vmem>>) target(%dma_start3A_333 : memref<10240x128xf32, #tpu.memory_space<vmem_shared>>) offsets(%arg16 : memref<80xi32, #tpu.memory_space<vmem>>) semaphore(%arg26 : memref<!tpu.dma_semaphore, #tpu.memory_space<semaphore_mem>>) {add = true}
    %dma_start3A_334 = arith.constant 0 : i32
    %dma_start3A_335 = tpu.memref_slice %arg11[%dma_start3A_334] : memref<10240xf32, #tpu.memory_space<vmem_shared>> -> memref<10240xf32, #tpu.memory_space<vmem_shared>>
    tpu.enqueue_indirect_dma source(%arg22 : memref<80xf32, #tpu.memory_space<vmem>>) target(%dma_start3A_335 : memref<10240xf32, #tpu.memory_space<vmem_shared>>) offsets(%arg16 : memref<80xi32, #tpu.memory_space<vmem>>) semaphore(%arg26 : memref<!tpu.dma_semaphore, #tpu.memory_space<semaphore_mem>>) {add = true}
    %dma_wait3A_336 = arith.constant 0 : i32
    %dma_wait3A_337 = arith.constant 0 : i32
    %dma_wait3A_338 = tpu.memref_slice %arg2[%dma_wait3A_336, %dma_wait3A_337] : memref<10000x128xf32, #tpu.memory_space<hbm>> -> memref<10000x128xf32, #tpu.memory_space<hbm>>
    tpu.wait_indirect_dma semaphore(%arg24 : memref<!tpu.dma_semaphore, #tpu.memory_space<semaphore_mem>>) src(%dma_wait3A_338 : memref<10000x128xf32, #tpu.memory_space<hbm>>) dst(%arg20 : memref<80x128xf32, #tpu.memory_space<vmem>>)
    %dma_start3A_339 = arith.constant 0 : i32
    %dma_start3A_340 = arith.constant 0 : i32
    %dma_start3A_341 = tpu.memref_slice %arg10[%dma_start3A_339, %dma_start3A_340] : memref<10240x128xf32, #tpu.memory_space<vmem_shared>> -> memref<10240x128xf32, #tpu.memory_space<vmem_shared>>
    tpu.enqueue_indirect_dma source(%arg20 : memref<80x128xf32, #tpu.memory_space<vmem>>) target(%dma_start3A_341 : memref<10240x128xf32, #tpu.memory_space<vmem_shared>>) offsets(%arg17 : memref<80xi32, #tpu.memory_space<vmem>>) semaphore(%arg27 : memref<!tpu.dma_semaphore, #tpu.memory_space<semaphore_mem>>) {add = true}
    %dma_start3A_342 = arith.constant 0 : i32
    %dma_start3A_343 = tpu.memref_slice %arg11[%dma_start3A_342] : memref<10240xf32, #tpu.memory_space<vmem_shared>> -> memref<10240xf32, #tpu.memory_space<vmem_shared>>
    tpu.enqueue_indirect_dma source(%arg22 : memref<80xf32, #tpu.memory_space<vmem>>) target(%dma_start3A_343 : memref<10240xf32, #tpu.memory_space<vmem_shared>>) offsets(%arg17 : memref<80xi32, #tpu.memory_space<vmem>>) semaphore(%arg27 : memref<!tpu.dma_semaphore, #tpu.memory_space<semaphore_mem>>) {add = true}
    %dma_wait3A_344 = arith.constant 0 : i32
    %dma_wait3A_345 = arith.constant 0 : i32
    %dma_wait3A_346 = tpu.memref_slice %arg10[%dma_wait3A_344, %dma_wait3A_345] : memref<10240x128xf32, #tpu.memory_space<vmem_shared>> -> memref<10240x128xf32, #tpu.memory_space<vmem_shared>>
    tpu.wait_indirect_dma semaphore(%arg28 : memref<!tpu.dma_semaphore, #tpu.memory_space<semaphore_mem>>) src(%arg21 : memref<80x128xf32, #tpu.memory_space<vmem>>) dst(%dma_wait3A_346 : memref<10240x128xf32, #tpu.memory_space<vmem_shared>>)
    %dma_wait3A_347 = arith.constant 0 : i32
    %dma_wait3A_348 = tpu.memref_slice %arg11[%dma_wait3A_347] : memref<10240xf32, #tpu.memory_space<vmem_shared>> -> memref<10240xf32, #tpu.memory_space<vmem_shared>>
    tpu.wait_indirect_dma semaphore(%arg28 : memref<!tpu.dma_semaphore, #tpu.memory_space<semaphore_mem>>) src(%arg22 : memref<80xf32, #tpu.memory_space<vmem>>) dst(%dma_wait3A_348 : memref<10240xf32, #tpu.memory_space<vmem_shared>>)
    %dma_wait3A_349 = arith.constant 0 : i32
    %dma_wait3A_350 = arith.constant 0 : i32
    %dma_wait3A_351 = tpu.memref_slice %arg10[%dma_wait3A_349, %dma_wait3A_350] : memref<10240x128xf32, #tpu.memory_space<vmem_shared>> -> memref<10240x128xf32, #tpu.memory_space<vmem_shared>>
    tpu.wait_indirect_dma semaphore(%arg26 : memref<!tpu.dma_semaphore, #tpu.memory_space<semaphore_mem>>) src(%arg19 : memref<80x128xf32, #tpu.memory_space<vmem>>) dst(%dma_wait3A_351 : memref<10240x128xf32, #tpu.memory_space<vmem_shared>>)
    %dma_wait3A_352 = arith.constant 0 : i32
    %dma_wait3A_353 = tpu.memref_slice %arg11[%dma_wait3A_352] : memref<10240xf32, #tpu.memory_space<vmem_shared>> -> memref<10240xf32, #tpu.memory_space<vmem_shared>>
    tpu.wait_indirect_dma semaphore(%arg26 : memref<!tpu.dma_semaphore, #tpu.memory_space<semaphore_mem>>) src(%arg22 : memref<80xf32, #tpu.memory_space<vmem>>) dst(%dma_wait3A_353 : memref<10240xf32, #tpu.memory_space<vmem_shared>>)
    %dma_wait3A_354 = arith.constant 0 : i32
    %dma_wait3A_355 = arith.constant 0 : i32
    %dma_wait3A_356 = tpu.memref_slice %arg10[%dma_wait3A_354, %dma_wait3A_355] : memref<10240x128xf32, #tpu.memory_space<vmem_shared>> -> memref<10240x128xf32, #tpu.memory_space<vmem_shared>>
    tpu.wait_indirect_dma semaphore(%arg27 : memref<!tpu.dma_semaphore, #tpu.memory_space<semaphore_mem>>) src(%arg20 : memref<80x128xf32, #tpu.memory_space<vmem>>) dst(%dma_wait3A_356 : memref<10240x128xf32, #tpu.memory_space<vmem_shared>>)
    %dma_wait3A_357 = arith.constant 0 : i32
    %dma_wait3A_358 = tpu.memref_slice %arg11[%dma_wait3A_357] : memref<10240xf32, #tpu.memory_space<vmem_shared>> -> memref<10240xf32, #tpu.memory_space<vmem_shared>>
    tpu.wait_indirect_dma semaphore(%arg27 : memref<!tpu.dma_semaphore, #tpu.memory_space<semaphore_mem>>) src(%arg22 : memref<80xf32, #tpu.memory_space<vmem>>) dst(%dma_wait3A_358 : memref<10240xf32, #tpu.memory_space<vmem_shared>>)
    %barrier3A_359 = arith.constant 0 : index
    tpu.barrier barrier_id(%barrier3A_359)
    "tpu.region"() ({
      %run_scoped3A = tpu.sem_alloc : memref<!tpu.dma_semaphore, #tpu.memory_space<semaphore_mem>>
      %dma_start3A_608 = tpu.memref_slice %arg11[%mul3A_2] : memref<10240xf32, #tpu.memory_space<vmem_shared>> -> memref<640xf32, #tpu.memory_space<vmem_shared>>
      %dma_start3A_609 = tpu.memref_slice %arg11[%mul3A_2] : memref<10240xf32, #tpu.memory_space<vmem_shared>> -> memref<640xf32, #tpu.memory_space<vmem_shared>>
      tpu.enqueue_dma source(%dma_start3A_609 : memref<640xf32, #tpu.memory_space<vmem_shared>>) target(%arg12 : memref<640xf32, #tpu.memory_space<vmem>>) target_semaphore(%run_scoped3A : memref<!tpu.dma_semaphore, #tpu.memory_space<semaphore_mem>>)
      %dma_wait3A_610 = tpu.memref_slice %arg11[%mul3A_2] : memref<10240xf32, #tpu.memory_space<vmem_shared>> -> memref<640xf32, #tpu.memory_space<vmem_shared>>
      %dma_wait3A_611 = tpu.memref_slice %arg11[%mul3A_2] : memref<10240xf32, #tpu.memory_space<vmem_shared>> -> memref<640xf32, #tpu.memory_space<vmem_shared>>
      tpu.wait_dma2 semaphore(%run_scoped3A : memref<!tpu.dma_semaphore, #tpu.memory_space<semaphore_mem>>) src(%dma_wait3A_611 : memref<640xf32, #tpu.memory_space<vmem_shared>>) dst(%arg12 : memref<640xf32, #tpu.memory_space<vmem>>)
      tpu.yield
    }) : () -> ()
    %dma_start3A_360 = tpu.memref_slice %arg9[%arg0, %mul3A_2] : memref<2x10240xf32, #tpu.memory_space<hbm>> -> memref<1x640xf32, #tpu.memory_space<hbm>>
    %dma_start3A_361 = tpu.memref_squeeze %dma_start3A_360 : memref<1x640xf32, #tpu.memory_space<hbm>> -> memref<640xf32, #tpu.memory_space<hbm>>
    %dma_start3A_362 = tpu.memref_slice %arg9[%arg0, %mul3A_2] : memref<2x10240xf32, #tpu.memory_space<hbm>> -> memref<1x640xf32, #tpu.memory_space<hbm>>
    %dma_start3A_363 = tpu.memref_squeeze %dma_start3A_362 : memref<1x640xf32, #tpu.memory_space<hbm>> -> memref<640xf32, #tpu.memory_space<hbm>>
    tpu.enqueue_dma source(%arg12 : memref<640xf32, #tpu.memory_space<vmem>>) target(%dma_start3A_363 : memref<640xf32, #tpu.memory_space<hbm>>) target_semaphore(%arg27 : memref<!tpu.dma_semaphore, #tpu.memory_space<semaphore_mem>>)
    %add3A_364 = arith.constant 0 : i32
    %add3A_365 = arith.addi %mul3A_2, %add3A_364 : i32
    "tpu.region"() ({
      %run_scoped3A = tpu.sem_alloc : memref<!tpu.dma_semaphore, #tpu.memory_space<semaphore_mem>>
      %dma_start3A_608 = arith.constant 0 : i32
      %dma_start3A_609 = arith.constant 0 : i32
      %dma_start3A_610 = tpu.memref_slice %arg19[%dma_start3A_608, %dma_start3A_609] : memref<80x128xf32, #tpu.memory_space<vmem>> -> memref<80x128xf32, #tpu.memory_space<vmem>>
      %dma_start3A_611 = arith.constant 0 : i32
      %dma_start3A_612 = tpu.memref_slice %arg10[%add3A_365, %dma_start3A_611] : memref<10240x128xf32, #tpu.memory_space<vmem_shared>> -> memref<80x128xf32, #tpu.memory_space<vmem_shared>>
      %dma_start3A_613 = arith.constant 0 : i32
      %dma_start3A_614 = arith.constant 0 : i32
      %dma_start3A_615 = tpu.memref_slice %arg19[%dma_start3A_613, %dma_start3A_614] : memref<80x128xf32, #tpu.memory_space<vmem>> -> memref<80x128xf32, #tpu.memory_space<vmem>>
      %dma_start3A_616 = arith.constant 0 : i32
      %dma_start3A_617 = tpu.memref_slice %arg10[%add3A_365, %dma_start3A_616] : memref<10240x128xf32, #tpu.memory_space<vmem_shared>> -> memref<80x128xf32, #tpu.memory_space<vmem_shared>>
      tpu.enqueue_dma source(%dma_start3A_617 : memref<80x128xf32, #tpu.memory_space<vmem_shared>>) target(%dma_start3A_615 : memref<80x128xf32, #tpu.memory_space<vmem>>) target_semaphore(%run_scoped3A : memref<!tpu.dma_semaphore, #tpu.memory_space<semaphore_mem>>)
      %dma_wait3A_618 = arith.constant 0 : i32
      %dma_wait3A_619 = arith.constant 0 : i32
      %dma_wait3A_620 = tpu.memref_slice %arg19[%dma_wait3A_618, %dma_wait3A_619] : memref<80x128xf32, #tpu.memory_space<vmem>> -> memref<80x128xf32, #tpu.memory_space<vmem>>
      %dma_wait3A_621 = arith.constant 0 : i32
      %dma_wait3A_622 = tpu.memref_slice %arg10[%add3A_365, %dma_wait3A_621] : memref<10240x128xf32, #tpu.memory_space<vmem_shared>> -> memref<80x128xf32, #tpu.memory_space<vmem_shared>>
      %dma_wait3A_623 = arith.constant 0 : i32
      %dma_wait3A_624 = arith.constant 0 : i32
      %dma_wait3A_625 = tpu.memref_slice %arg19[%dma_wait3A_623, %dma_wait3A_624] : memref<80x128xf32, #tpu.memory_space<vmem>> -> memref<80x128xf32, #tpu.memory_space<vmem>>
      %dma_wait3A_626 = arith.constant 0 : i32
      %dma_wait3A_627 = tpu.memref_slice %arg10[%add3A_365, %dma_wait3A_626] : memref<10240x128xf32, #tpu.memory_space<vmem_shared>> -> memref<80x128xf32, #tpu.memory_space<vmem_shared>>
      tpu.wait_dma2 semaphore(%run_scoped3A : memref<!tpu.dma_semaphore, #tpu.memory_space<semaphore_mem>>) src(%dma_wait3A_627 : memref<80x128xf32, #tpu.memory_space<vmem_shared>>) dst(%dma_wait3A_625 : memref<80x128xf32, #tpu.memory_space<vmem>>)
      tpu.yield
    }) : () -> ()
    %add3A_366 = arith.constant 0 : i32
    %add3A_367 = arith.addi %mul3A_2, %add3A_366 : i32
    %dma_start3A_368 = arith.constant 0 : i32
    %dma_start3A_369 = arith.constant 0 : i32
    %dma_start3A_370 = tpu.memref_slice %arg19[%dma_start3A_368, %dma_start3A_369] : memref<80x128xf32, #tpu.memory_space<vmem>> -> memref<80x128xf32, #tpu.memory_space<vmem>>
    %dma_start3A_371 = arith.constant 0 : i32
    %dma_start3A_372 = tpu.memref_slice %arg8[%arg0, %add3A_367, %dma_start3A_371] : memref<2x10240x128xf32, #tpu.memory_space<hbm>> -> memref<1x80x128xf32, #tpu.memory_space<hbm>>
    %dma_start3A_373 = tpu.memref_squeeze %dma_start3A_372 : memref<1x80x128xf32, #tpu.memory_space<hbm>> -> memref<80x128xf32, #tpu.memory_space<hbm>>
    %dma_start3A_374 = arith.constant 0 : i32
    %dma_start3A_375 = tpu.memref_slice %arg8[%arg0, %add3A_367, %dma_start3A_374] : memref<2x10240x128xf32, #tpu.memory_space<hbm>> -> memref<1x80x128xf32, #tpu.memory_space<hbm>>
    %dma_start3A_376 = tpu.memref_squeeze %dma_start3A_375 : memref<1x80x128xf32, #tpu.memory_space<hbm>> -> memref<80x128xf32, #tpu.memory_space<hbm>>
    %dma_start3A_377 = arith.constant 0 : i32
    %dma_start3A_378 = arith.constant 0 : i32
    %dma_start3A_379 = tpu.memref_slice %arg19[%dma_start3A_377, %dma_start3A_378] : memref<80x128xf32, #tpu.memory_space<vmem>> -> memref<80x128xf32, #tpu.memory_space<vmem>>
    tpu.enqueue_dma source(%dma_start3A_379 : memref<80x128xf32, #tpu.memory_space<vmem>>) target(%dma_start3A_376 : memref<80x128xf32, #tpu.memory_space<hbm>>) target_semaphore(%arg26 : memref<!tpu.dma_semaphore, #tpu.memory_space<semaphore_mem>>)
    %add3A_380 = arith.constant 80 : i32
    %add3A_381 = arith.addi %mul3A_2, %add3A_380 : i32
    "tpu.region"() ({
      %run_scoped3A = tpu.sem_alloc : memref<!tpu.dma_semaphore, #tpu.memory_space<semaphore_mem>>
      %dma_start3A_608 = arith.constant 0 : i32
      %dma_start3A_609 = arith.constant 0 : i32
      %dma_start3A_610 = tpu.memref_slice %arg20[%dma_start3A_608, %dma_start3A_609] : memref<80x128xf32, #tpu.memory_space<vmem>> -> memref<80x128xf32, #tpu.memory_space<vmem>>
      %dma_start3A_611 = arith.constant 0 : i32
      %dma_start3A_612 = tpu.memref_slice %arg10[%add3A_381, %dma_start3A_611] : memref<10240x128xf32, #tpu.memory_space<vmem_shared>> -> memref<80x128xf32, #tpu.memory_space<vmem_shared>>
      %dma_start3A_613 = arith.constant 0 : i32
      %dma_start3A_614 = arith.constant 0 : i32
      %dma_start3A_615 = tpu.memref_slice %arg20[%dma_start3A_613, %dma_start3A_614] : memref<80x128xf32, #tpu.memory_space<vmem>> -> memref<80x128xf32, #tpu.memory_space<vmem>>
      %dma_start3A_616 = arith.constant 0 : i32
      %dma_start3A_617 = tpu.memref_slice %arg10[%add3A_381, %dma_start3A_616] : memref<10240x128xf32, #tpu.memory_space<vmem_shared>> -> memref<80x128xf32, #tpu.memory_space<vmem_shared>>
      tpu.enqueue_dma source(%dma_start3A_617 : memref<80x128xf32, #tpu.memory_space<vmem_shared>>) target(%dma_start3A_615 : memref<80x128xf32, #tpu.memory_space<vmem>>) target_semaphore(%run_scoped3A : memref<!tpu.dma_semaphore, #tpu.memory_space<semaphore_mem>>)
      %dma_wait3A_618 = arith.constant 0 : i32
      %dma_wait3A_619 = arith.constant 0 : i32
      %dma_wait3A_620 = tpu.memref_slice %arg20[%dma_wait3A_618, %dma_wait3A_619] : memref<80x128xf32, #tpu.memory_space<vmem>> -> memref<80x128xf32, #tpu.memory_space<vmem>>
      %dma_wait3A_621 = arith.constant 0 : i32
      %dma_wait3A_622 = tpu.memref_slice %arg10[%add3A_381, %dma_wait3A_621] : memref<10240x128xf32, #tpu.memory_space<vmem_shared>> -> memref<80x128xf32, #tpu.memory_space<vmem_shared>>
      %dma_wait3A_623 = arith.constant 0 : i32
      %dma_wait3A_624 = arith.constant 0 : i32
      %dma_wait3A_625 = tpu.memref_slice %arg20[%dma_wait3A_623, %dma_wait3A_624] : memref<80x128xf32, #tpu.memory_space<vmem>> -> memref<80x128xf32, #tpu.memory_space<vmem>>
      %dma_wait3A_626 = arith.constant 0 : i32
      %dma_wait3A_627 = tpu.memref_slice %arg10[%add3A_381, %dma_wait3A_626] : memref<10240x128xf32, #tpu.memory_space<vmem_shared>> -> memref<80x128xf32, #tpu.memory_space<vmem_shared>>
      tpu.wait_dma2 semaphore(%run_scoped3A : memref<!tpu.dma_semaphore, #tpu.memory_space<semaphore_mem>>) src(%dma_wait3A_627 : memref<80x128xf32, #tpu.memory_space<vmem_shared>>) dst(%dma_wait3A_625 : memref<80x128xf32, #tpu.memory_space<vmem>>)
      tpu.yield
    }) : () -> ()
    %add3A_382 = arith.constant 80 : i32
    %add3A_383 = arith.addi %mul3A_2, %add3A_382 : i32
    %dma_start3A_384 = arith.constant 0 : i32
    %dma_start3A_385 = arith.constant 0 : i32
    %dma_start3A_386 = tpu.memref_slice %arg20[%dma_start3A_384, %dma_start3A_385] : memref<80x128xf32, #tpu.memory_space<vmem>> -> memref<80x128xf32, #tpu.memory_space<vmem>>
    %dma_start3A_387 = arith.constant 0 : i32
    %dma_start3A_388 = tpu.memref_slice %arg8[%arg0, %add3A_383, %dma_start3A_387] : memref<2x10240x128xf32, #tpu.memory_space<hbm>> -> memref<1x80x128xf32, #tpu.memory_space<hbm>>
    %dma_start3A_389 = tpu.memref_squeeze %dma_start3A_388 : memref<1x80x128xf32, #tpu.memory_space<hbm>> -> memref<80x128xf32, #tpu.memory_space<hbm>>
    %dma_start3A_390 = arith.constant 0 : i32
    %dma_start3A_391 = tpu.memref_slice %arg8[%arg0, %add3A_383, %dma_start3A_390] : memref<2x10240x128xf32, #tpu.memory_space<hbm>> -> memref<1x80x128xf32, #tpu.memory_space<hbm>>
    %dma_start3A_392 = tpu.memref_squeeze %dma_start3A_391 : memref<1x80x128xf32, #tpu.memory_space<hbm>> -> memref<80x128xf32, #tpu.memory_space<hbm>>
    %dma_start3A_393 = arith.constant 0 : i32
    %dma_start3A_394 = arith.constant 0 : i32
    %dma_start3A_395 = tpu.memref_slice %arg20[%dma_start3A_393, %dma_start3A_394] : memref<80x128xf32, #tpu.memory_space<vmem>> -> memref<80x128xf32, #tpu.memory_space<vmem>>
    tpu.enqueue_dma source(%dma_start3A_395 : memref<80x128xf32, #tpu.memory_space<vmem>>) target(%dma_start3A_392 : memref<80x128xf32, #tpu.memory_space<hbm>>) target_semaphore(%arg26 : memref<!tpu.dma_semaphore, #tpu.memory_space<semaphore_mem>>)
    %add3A_396 = arith.constant 160 : i32
    %add3A_397 = arith.addi %mul3A_2, %add3A_396 : i32
    "tpu.region"() ({
      %run_scoped3A = tpu.sem_alloc : memref<!tpu.dma_semaphore, #tpu.memory_space<semaphore_mem>>
      %dma_start3A_608 = arith.constant 0 : i32
      %dma_start3A_609 = arith.constant 0 : i32
      %dma_start3A_610 = tpu.memref_slice %arg21[%dma_start3A_608, %dma_start3A_609] : memref<80x128xf32, #tpu.memory_space<vmem>> -> memref<80x128xf32, #tpu.memory_space<vmem>>
      %dma_start3A_611 = arith.constant 0 : i32
      %dma_start3A_612 = tpu.memref_slice %arg10[%add3A_397, %dma_start3A_611] : memref<10240x128xf32, #tpu.memory_space<vmem_shared>> -> memref<80x128xf32, #tpu.memory_space<vmem_shared>>
      %dma_start3A_613 = arith.constant 0 : i32
      %dma_start3A_614 = arith.constant 0 : i32
      %dma_start3A_615 = tpu.memref_slice %arg21[%dma_start3A_613, %dma_start3A_614] : memref<80x128xf32, #tpu.memory_space<vmem>> -> memref<80x128xf32, #tpu.memory_space<vmem>>
      %dma_start3A_616 = arith.constant 0 : i32
      %dma_start3A_617 = tpu.memref_slice %arg10[%add3A_397, %dma_start3A_616] : memref<10240x128xf32, #tpu.memory_space<vmem_shared>> -> memref<80x128xf32, #tpu.memory_space<vmem_shared>>
      tpu.enqueue_dma source(%dma_start3A_617 : memref<80x128xf32, #tpu.memory_space<vmem_shared>>) target(%dma_start3A_615 : memref<80x128xf32, #tpu.memory_space<vmem>>) target_semaphore(%run_scoped3A : memref<!tpu.dma_semaphore, #tpu.memory_space<semaphore_mem>>)
      %dma_wait3A_618 = arith.constant 0 : i32
      %dma_wait3A_619 = arith.constant 0 : i32
      %dma_wait3A_620 = tpu.memref_slice %arg21[%dma_wait3A_618, %dma_wait3A_619] : memref<80x128xf32, #tpu.memory_space<vmem>> -> memref<80x128xf32, #tpu.memory_space<vmem>>
      %dma_wait3A_621 = arith.constant 0 : i32
      %dma_wait3A_622 = tpu.memref_slice %arg10[%add3A_397, %dma_wait3A_621] : memref<10240x128xf32, #tpu.memory_space<vmem_shared>> -> memref<80x128xf32, #tpu.memory_space<vmem_shared>>
      %dma_wait3A_623 = arith.constant 0 : i32
      %dma_wait3A_624 = arith.constant 0 : i32
      %dma_wait3A_625 = tpu.memref_slice %arg21[%dma_wait3A_623, %dma_wait3A_624] : memref<80x128xf32, #tpu.memory_space<vmem>> -> memref<80x128xf32, #tpu.memory_space<vmem>>
      %dma_wait3A_626 = arith.constant 0 : i32
      %dma_wait3A_627 = tpu.memref_slice %arg10[%add3A_397, %dma_wait3A_626] : memref<10240x128xf32, #tpu.memory_space<vmem_shared>> -> memref<80x128xf32, #tpu.memory_space<vmem_shared>>
      tpu.wait_dma2 semaphore(%run_scoped3A : memref<!tpu.dma_semaphore, #tpu.memory_space<semaphore_mem>>) src(%dma_wait3A_627 : memref<80x128xf32, #tpu.memory_space<vmem_shared>>) dst(%dma_wait3A_625 : memref<80x128xf32, #tpu.memory_space<vmem>>)
      tpu.yield
    }) : () -> ()
    %add3A_398 = arith.constant 160 : i32
    %add3A_399 = arith.addi %mul3A_2, %add3A_398 : i32
    %dma_start3A_400 = arith.constant 0 : i32
    %dma_start3A_401 = arith.constant 0 : i32
    %dma_start3A_402 = tpu.memref_slice %arg21[%dma_start3A_400, %dma_start3A_401] : memref<80x128xf32, #tpu.memory_space<vmem>> -> memref<80x128xf32, #tpu.memory_space<vmem>>
    %dma_start3A_403 = arith.constant 0 : i32
    %dma_start3A_404 = tpu.memref_slice %arg8[%arg0, %add3A_399, %dma_start3A_403] : memref<2x10240x128xf32, #tpu.memory_space<hbm>> -> memref<1x80x128xf32, #tpu.memory_space<hbm>>
    %dma_start3A_405 = tpu.memref_squeeze %dma_start3A_404 : memref<1x80x128xf32, #tpu.memory_space<hbm>> -> memref<80x128xf32, #tpu.memory_space<hbm>>
    %dma_start3A_406 = arith.constant 0 : i32
    %dma_start3A_407 = tpu.memref_slice %arg8[%arg0, %add3A_399, %dma_start3A_406] : memref<2x10240x128xf32, #tpu.memory_space<hbm>> -> memref<1x80x128xf32, #tpu.memory_space<hbm>>
    %dma_start3A_408 = tpu.memref_squeeze %dma_start3A_407 : memref<1x80x128xf32, #tpu.memory_space<hbm>> -> memref<80x128xf32, #tpu.memory_space<hbm>>
    %dma_start3A_409 = arith.constant 0 : i32
    %dma_start3A_410 = arith.constant 0 : i32
    %dma_start3A_411 = tpu.memref_slice %arg21[%dma_start3A_409, %dma_start3A_410] : memref<80x128xf32, #tpu.memory_space<vmem>> -> memref<80x128xf32, #tpu.memory_space<vmem>>
    tpu.enqueue_dma source(%dma_start3A_411 : memref<80x128xf32, #tpu.memory_space<vmem>>) target(%dma_start3A_408 : memref<80x128xf32, #tpu.memory_space<hbm>>) target_semaphore(%arg26 : memref<!tpu.dma_semaphore, #tpu.memory_space<semaphore_mem>>)
    %add3A_412 = arith.constant 0 : i32
    %add3A_413 = arith.addi %mul3A_2, %add3A_412 : i32
    %dma_wait3A_414 = arith.constant 0 : i32
    %dma_wait3A_415 = arith.constant 0 : i32
    %dma_wait3A_416 = tpu.memref_slice %arg19[%dma_wait3A_414, %dma_wait3A_415] : memref<80x128xf32, #tpu.memory_space<vmem>> -> memref<80x128xf32, #tpu.memory_space<vmem>>
    %dma_wait3A_417 = arith.constant 0 : i32
    %dma_wait3A_418 = tpu.memref_slice %arg8[%arg0, %add3A_413, %dma_wait3A_417] : memref<2x10240x128xf32, #tpu.memory_space<hbm>> -> memref<1x80x128xf32, #tpu.memory_space<hbm>>
    %dma_wait3A_419 = tpu.memref_squeeze %dma_wait3A_418 : memref<1x80x128xf32, #tpu.memory_space<hbm>> -> memref<80x128xf32, #tpu.memory_space<hbm>>
    %dma_wait3A_420 = arith.constant 0 : i32
    %dma_wait3A_421 = tpu.memref_slice %arg8[%arg0, %add3A_413, %dma_wait3A_420] : memref<2x10240x128xf32, #tpu.memory_space<hbm>> -> memref<1x80x128xf32, #tpu.memory_space<hbm>>
    %dma_wait3A_422 = tpu.memref_squeeze %dma_wait3A_421 : memref<1x80x128xf32, #tpu.memory_space<hbm>> -> memref<80x128xf32, #tpu.memory_space<hbm>>
    %dma_wait3A_423 = arith.constant 0 : i32
    %dma_wait3A_424 = arith.constant 0 : i32
    %dma_wait3A_425 = tpu.memref_slice %arg19[%dma_wait3A_423, %dma_wait3A_424] : memref<80x128xf32, #tpu.memory_space<vmem>> -> memref<80x128xf32, #tpu.memory_space<vmem>>
    tpu.wait_dma2 semaphore(%arg26 : memref<!tpu.dma_semaphore, #tpu.memory_space<semaphore_mem>>) src(%dma_wait3A_425 : memref<80x128xf32, #tpu.memory_space<vmem>>) dst(%dma_wait3A_422 : memref<80x128xf32, #tpu.memory_space<hbm>>)
    %add3A_426 = arith.constant 240 : i32
    %add3A_427 = arith.addi %mul3A_2, %add3A_426 : i32
    "tpu.region"() ({
      %run_scoped3A = tpu.sem_alloc : memref<!tpu.dma_semaphore, #tpu.memory_space<semaphore_mem>>
      %dma_start3A_608 = arith.constant 0 : i32
      %dma_start3A_609 = arith.constant 0 : i32
      %dma_start3A_610 = tpu.memref_slice %arg19[%dma_start3A_608, %dma_start3A_609] : memref<80x128xf32, #tpu.memory_space<vmem>> -> memref<80x128xf32, #tpu.memory_space<vmem>>
      %dma_start3A_611 = arith.constant 0 : i32
      %dma_start3A_612 = tpu.memref_slice %arg10[%add3A_427, %dma_start3A_611] : memref<10240x128xf32, #tpu.memory_space<vmem_shared>> -> memref<80x128xf32, #tpu.memory_space<vmem_shared>>
      %dma_start3A_613 = arith.constant 0 : i32
      %dma_start3A_614 = arith.constant 0 : i32
      %dma_start3A_615 = tpu.memref_slice %arg19[%dma_start3A_613, %dma_start3A_614] : memref<80x128xf32, #tpu.memory_space<vmem>> -> memref<80x128xf32, #tpu.memory_space<vmem>>
      %dma_start3A_616 = arith.constant 0 : i32
      %dma_start3A_617 = tpu.memref_slice %arg10[%add3A_427, %dma_start3A_616] : memref<10240x128xf32, #tpu.memory_space<vmem_shared>> -> memref<80x128xf32, #tpu.memory_space<vmem_shared>>
      tpu.enqueue_dma source(%dma_start3A_617 : memref<80x128xf32, #tpu.memory_space<vmem_shared>>) target(%dma_start3A_615 : memref<80x128xf32, #tpu.memory_space<vmem>>) target_semaphore(%run_scoped3A : memref<!tpu.dma_semaphore, #tpu.memory_space<semaphore_mem>>)
      %dma_wait3A_618 = arith.constant 0 : i32
      %dma_wait3A_619 = arith.constant 0 : i32
      %dma_wait3A_620 = tpu.memref_slice %arg19[%dma_wait3A_618, %dma_wait3A_619] : memref<80x128xf32, #tpu.memory_space<vmem>> -> memref<80x128xf32, #tpu.memory_space<vmem>>
      %dma_wait3A_621 = arith.constant 0 : i32
      %dma_wait3A_622 = tpu.memref_slice %arg10[%add3A_427, %dma_wait3A_621] : memref<10240x128xf32, #tpu.memory_space<vmem_shared>> -> memref<80x128xf32, #tpu.memory_space<vmem_shared>>
      %dma_wait3A_623 = arith.constant 0 : i32
      %dma_wait3A_624 = arith.constant 0 : i32
      %dma_wait3A_625 = tpu.memref_slice %arg19[%dma_wait3A_623, %dma_wait3A_624] : memref<80x128xf32, #tpu.memory_space<vmem>> -> memref<80x128xf32, #tpu.memory_space<vmem>>
      %dma_wait3A_626 = arith.constant 0 : i32
      %dma_wait3A_627 = tpu.memref_slice %arg10[%add3A_427, %dma_wait3A_626] : memref<10240x128xf32, #tpu.memory_space<vmem_shared>> -> memref<80x128xf32, #tpu.memory_space<vmem_shared>>
      tpu.wait_dma2 semaphore(%run_scoped3A : memref<!tpu.dma_semaphore, #tpu.memory_space<semaphore_mem>>) src(%dma_wait3A_627 : memref<80x128xf32, #tpu.memory_space<vmem_shared>>) dst(%dma_wait3A_625 : memref<80x128xf32, #tpu.memory_space<vmem>>)
      tpu.yield
    }) : () -> ()
    %add3A_428 = arith.constant 240 : i32
    %add3A_429 = arith.addi %mul3A_2, %add3A_428 : i32
    %dma_start3A_430 = arith.constant 0 : i32
    %dma_start3A_431 = arith.constant 0 : i32
    %dma_start3A_432 = tpu.memref_slice %arg19[%dma_start3A_430, %dma_start3A_431] : memref<80x128xf32, #tpu.memory_space<vmem>> -> memref<80x128xf32, #tpu.memory_space<vmem>>
    %dma_start3A_433 = arith.constant 0 : i32
    %dma_start3A_434 = tpu.memref_slice %arg8[%arg0, %add3A_429, %dma_start3A_433] : memref<2x10240x128xf32, #tpu.memory_space<hbm>> -> memref<1x80x128xf32, #tpu.memory_space<hbm>>
    %dma_start3A_435 = tpu.memref_squeeze %dma_start3A_434 : memref<1x80x128xf32, #tpu.memory_space<hbm>> -> memref<80x128xf32, #tpu.memory_space<hbm>>
    %dma_start3A_436 = arith.constant 0 : i32
    %dma_start3A_437 = tpu.memref_slice %arg8[%arg0, %add3A_429, %dma_start3A_436] : memref<2x10240x128xf32, #tpu.memory_space<hbm>> -> memref<1x80x128xf32, #tpu.memory_space<hbm>>
    %dma_start3A_438 = tpu.memref_squeeze %dma_start3A_437 : memref<1x80x128xf32, #tpu.memory_space<hbm>> -> memref<80x128xf32, #tpu.memory_space<hbm>>
    %dma_start3A_439 = arith.constant 0 : i32
    %dma_start3A_440 = arith.constant 0 : i32
    %dma_start3A_441 = tpu.memref_slice %arg19[%dma_start3A_439, %dma_start3A_440] : memref<80x128xf32, #tpu.memory_space<vmem>> -> memref<80x128xf32, #tpu.memory_space<vmem>>
    tpu.enqueue_dma source(%dma_start3A_441 : memref<80x128xf32, #tpu.memory_space<vmem>>) target(%dma_start3A_438 : memref<80x128xf32, #tpu.memory_space<hbm>>) target_semaphore(%arg26 : memref<!tpu.dma_semaphore, #tpu.memory_space<semaphore_mem>>)
    %add3A_442 = arith.constant 80 : i32
    %add3A_443 = arith.addi %mul3A_2, %add3A_442 : i32
    %dma_wait3A_444 = arith.constant 0 : i32
    %dma_wait3A_445 = arith.constant 0 : i32
    %dma_wait3A_446 = tpu.memref_slice %arg20[%dma_wait3A_444, %dma_wait3A_445] : memref<80x128xf32, #tpu.memory_space<vmem>> -> memref<80x128xf32, #tpu.memory_space<vmem>>
    %dma_wait3A_447 = arith.constant 0 : i32
    %dma_wait3A_448 = tpu.memref_slice %arg8[%arg0, %add3A_443, %dma_wait3A_447] : memref<2x10240x128xf32, #tpu.memory_space<hbm>> -> memref<1x80x128xf32, #tpu.memory_space<hbm>>
    %dma_wait3A_449 = tpu.memref_squeeze %dma_wait3A_448 : memref<1x80x128xf32, #tpu.memory_space<hbm>> -> memref<80x128xf32, #tpu.memory_space<hbm>>
    %dma_wait3A_450 = arith.constant 0 : i32
    %dma_wait3A_451 = tpu.memref_slice %arg8[%arg0, %add3A_443, %dma_wait3A_450] : memref<2x10240x128xf32, #tpu.memory_space<hbm>> -> memref<1x80x128xf32, #tpu.memory_space<hbm>>
    %dma_wait3A_452 = tpu.memref_squeeze %dma_wait3A_451 : memref<1x80x128xf32, #tpu.memory_space<hbm>> -> memref<80x128xf32, #tpu.memory_space<hbm>>
    %dma_wait3A_453 = arith.constant 0 : i32
    %dma_wait3A_454 = arith.constant 0 : i32
    %dma_wait3A_455 = tpu.memref_slice %arg20[%dma_wait3A_453, %dma_wait3A_454] : memref<80x128xf32, #tpu.memory_space<vmem>> -> memref<80x128xf32, #tpu.memory_space<vmem>>
    tpu.wait_dma2 semaphore(%arg26 : memref<!tpu.dma_semaphore, #tpu.memory_space<semaphore_mem>>) src(%dma_wait3A_455 : memref<80x128xf32, #tpu.memory_space<vmem>>) dst(%dma_wait3A_452 : memref<80x128xf32, #tpu.memory_space<hbm>>)
    %add3A_456 = arith.constant 320 : i32
    %add3A_457 = arith.addi %mul3A_2, %add3A_456 : i32
    "tpu.region"() ({
      %run_scoped3A = tpu.sem_alloc : memref<!tpu.dma_semaphore, #tpu.memory_space<semaphore_mem>>
      %dma_start3A_608 = arith.constant 0 : i32
      %dma_start3A_609 = arith.constant 0 : i32
      %dma_start3A_610 = tpu.memref_slice %arg20[%dma_start3A_608, %dma_start3A_609] : memref<80x128xf32, #tpu.memory_space<vmem>> -> memref<80x128xf32, #tpu.memory_space<vmem>>
      %dma_start3A_611 = arith.constant 0 : i32
      %dma_start3A_612 = tpu.memref_slice %arg10[%add3A_457, %dma_start3A_611] : memref<10240x128xf32, #tpu.memory_space<vmem_shared>> -> memref<80x128xf32, #tpu.memory_space<vmem_shared>>
      %dma_start3A_613 = arith.constant 0 : i32
      %dma_start3A_614 = arith.constant 0 : i32
      %dma_start3A_615 = tpu.memref_slice %arg20[%dma_start3A_613, %dma_start3A_614] : memref<80x128xf32, #tpu.memory_space<vmem>> -> memref<80x128xf32, #tpu.memory_space<vmem>>
      %dma_start3A_616 = arith.constant 0 : i32
      %dma_start3A_617 = tpu.memref_slice %arg10[%add3A_457, %dma_start3A_616] : memref<10240x128xf32, #tpu.memory_space<vmem_shared>> -> memref<80x128xf32, #tpu.memory_space<vmem_shared>>
      tpu.enqueue_dma source(%dma_start3A_617 : memref<80x128xf32, #tpu.memory_space<vmem_shared>>) target(%dma_start3A_615 : memref<80x128xf32, #tpu.memory_space<vmem>>) target_semaphore(%run_scoped3A : memref<!tpu.dma_semaphore, #tpu.memory_space<semaphore_mem>>)
      %dma_wait3A_618 = arith.constant 0 : i32
      %dma_wait3A_619 = arith.constant 0 : i32
      %dma_wait3A_620 = tpu.memref_slice %arg20[%dma_wait3A_618, %dma_wait3A_619] : memref<80x128xf32, #tpu.memory_space<vmem>> -> memref<80x128xf32, #tpu.memory_space<vmem>>
      %dma_wait3A_621 = arith.constant 0 : i32
      %dma_wait3A_622 = tpu.memref_slice %arg10[%add3A_457, %dma_wait3A_621] : memref<10240x128xf32, #tpu.memory_space<vmem_shared>> -> memref<80x128xf32, #tpu.memory_space<vmem_shared>>
      %dma_wait3A_623 = arith.constant 0 : i32
      %dma_wait3A_624 = arith.constant 0 : i32
      %dma_wait3A_625 = tpu.memref_slice %arg20[%dma_wait3A_623, %dma_wait3A_624] : memref<80x128xf32, #tpu.memory_space<vmem>> -> memref<80x128xf32, #tpu.memory_space<vmem>>
      %dma_wait3A_626 = arith.constant 0 : i32
      %dma_wait3A_627 = tpu.memref_slice %arg10[%add3A_457, %dma_wait3A_626] : memref<10240x128xf32, #tpu.memory_space<vmem_shared>> -> memref<80x128xf32, #tpu.memory_space<vmem_shared>>
      tpu.wait_dma2 semaphore(%run_scoped3A : memref<!tpu.dma_semaphore, #tpu.memory_space<semaphore_mem>>) src(%dma_wait3A_627 : memref<80x128xf32, #tpu.memory_space<vmem_shared>>) dst(%dma_wait3A_625 : memref<80x128xf32, #tpu.memory_space<vmem>>)
      tpu.yield
    }) : () -> ()
    %add3A_458 = arith.constant 320 : i32
    %add3A_459 = arith.addi %mul3A_2, %add3A_458 : i32
    %dma_start3A_460 = arith.constant 0 : i32
    %dma_start3A_461 = arith.constant 0 : i32
    %dma_start3A_462 = tpu.memref_slice %arg20[%dma_start3A_460, %dma_start3A_461] : memref<80x128xf32, #tpu.memory_space<vmem>> -> memref<80x128xf32, #tpu.memory_space<vmem>>
    %dma_start3A_463 = arith.constant 0 : i32
    %dma_start3A_464 = tpu.memref_slice %arg8[%arg0, %add3A_459, %dma_start3A_463] : memref<2x10240x128xf32, #tpu.memory_space<hbm>> -> memref<1x80x128xf32, #tpu.memory_space<hbm>>
    %dma_start3A_465 = tpu.memref_squeeze %dma_start3A_464 : memref<1x80x128xf32, #tpu.memory_space<hbm>> -> memref<80x128xf32, #tpu.memory_space<hbm>>
    %dma_start3A_466 = arith.constant 0 : i32
    %dma_start3A_467 = tpu.memref_slice %arg8[%arg0, %add3A_459, %dma_start3A_466] : memref<2x10240x128xf32, #tpu.memory_space<hbm>> -> memref<1x80x128xf32, #tpu.memory_space<hbm>>
    %dma_start3A_468 = tpu.memref_squeeze %dma_start3A_467 : memref<1x80x128xf32, #tpu.memory_space<hbm>> -> memref<80x128xf32, #tpu.memory_space<hbm>>
    %dma_start3A_469 = arith.constant 0 : i32
    %dma_start3A_470 = arith.constant 0 : i32
    %dma_start3A_471 = tpu.memref_slice %arg20[%dma_start3A_469, %dma_start3A_470] : memref<80x128xf32, #tpu.memory_space<vmem>> -> memref<80x128xf32, #tpu.memory_space<vmem>>
    tpu.enqueue_dma source(%dma_start3A_471 : memref<80x128xf32, #tpu.memory_space<vmem>>) target(%dma_start3A_468 : memref<80x128xf32, #tpu.memory_space<hbm>>) target_semaphore(%arg26 : memref<!tpu.dma_semaphore, #tpu.memory_space<semaphore_mem>>)
    %add3A_472 = arith.constant 160 : i32
    %add3A_473 = arith.addi %mul3A_2, %add3A_472 : i32
    %dma_wait3A_474 = arith.constant 0 : i32
    %dma_wait3A_475 = arith.constant 0 : i32
    %dma_wait3A_476 = tpu.memref_slice %arg21[%dma_wait3A_474, %dma_wait3A_475] : memref<80x128xf32, #tpu.memory_space<vmem>> -> memref<80x128xf32, #tpu.memory_space<vmem>>
    %dma_wait3A_477 = arith.constant 0 : i32
    %dma_wait3A_478 = tpu.memref_slice %arg8[%arg0, %add3A_473, %dma_wait3A_477] : memref<2x10240x128xf32, #tpu.memory_space<hbm>> -> memref<1x80x128xf32, #tpu.memory_space<hbm>>
    %dma_wait3A_479 = tpu.memref_squeeze %dma_wait3A_478 : memref<1x80x128xf32, #tpu.memory_space<hbm>> -> memref<80x128xf32, #tpu.memory_space<hbm>>
    %dma_wait3A_480 = arith.constant 0 : i32
    %dma_wait3A_481 = tpu.memref_slice %arg8[%arg0, %add3A_473, %dma_wait3A_480] : memref<2x10240x128xf32, #tpu.memory_space<hbm>> -> memref<1x80x128xf32, #tpu.memory_space<hbm>>
    %dma_wait3A_482 = tpu.memref_squeeze %dma_wait3A_481 : memref<1x80x128xf32, #tpu.memory_space<hbm>> -> memref<80x128xf32, #tpu.memory_space<hbm>>
    %dma_wait3A_483 = arith.constant 0 : i32
    %dma_wait3A_484 = arith.constant 0 : i32
    %dma_wait3A_485 = tpu.memref_slice %arg21[%dma_wait3A_483, %dma_wait3A_484] : memref<80x128xf32, #tpu.memory_space<vmem>> -> memref<80x128xf32, #tpu.memory_space<vmem>>
    tpu.wait_dma2 semaphore(%arg26 : memref<!tpu.dma_semaphore, #tpu.memory_space<semaphore_mem>>) src(%dma_wait3A_485 : memref<80x128xf32, #tpu.memory_space<vmem>>) dst(%dma_wait3A_482 : memref<80x128xf32, #tpu.memory_space<hbm>>)
    %add3A_486 = arith.constant 400 : i32
    %add3A_487 = arith.addi %mul3A_2, %add3A_486 : i32
    "tpu.region"() ({
      %run_scoped3A = tpu.sem_alloc : memref<!tpu.dma_semaphore, #tpu.memory_space<semaphore_mem>>
      %dma_start3A_608 = arith.constant 0 : i32
      %dma_start3A_609 = arith.constant 0 : i32
      %dma_start3A_610 = tpu.memref_slice %arg21[%dma_start3A_608, %dma_start3A_609] : memref<80x128xf32, #tpu.memory_space<vmem>> -> memref<80x128xf32, #tpu.memory_space<vmem>>
      %dma_start3A_611 = arith.constant 0 : i32
      %dma_start3A_612 = tpu.memref_slice %arg10[%add3A_487, %dma_start3A_611] : memref<10240x128xf32, #tpu.memory_space<vmem_shared>> -> memref<80x128xf32, #tpu.memory_space<vmem_shared>>
      %dma_start3A_613 = arith.constant 0 : i32
      %dma_start3A_614 = arith.constant 0 : i32
      %dma_start3A_615 = tpu.memref_slice %arg21[%dma_start3A_613, %dma_start3A_614] : memref<80x128xf32, #tpu.memory_space<vmem>> -> memref<80x128xf32, #tpu.memory_space<vmem>>
      %dma_start3A_616 = arith.constant 0 : i32
      %dma_start3A_617 = tpu.memref_slice %arg10[%add3A_487, %dma_start3A_616] : memref<10240x128xf32, #tpu.memory_space<vmem_shared>> -> memref<80x128xf32, #tpu.memory_space<vmem_shared>>
      tpu.enqueue_dma source(%dma_start3A_617 : memref<80x128xf32, #tpu.memory_space<vmem_shared>>) target(%dma_start3A_615 : memref<80x128xf32, #tpu.memory_space<vmem>>) target_semaphore(%run_scoped3A : memref<!tpu.dma_semaphore, #tpu.memory_space<semaphore_mem>>)
      %dma_wait3A_618 = arith.constant 0 : i32
      %dma_wait3A_619 = arith.constant 0 : i32
      %dma_wait3A_620 = tpu.memref_slice %arg21[%dma_wait3A_618, %dma_wait3A_619] : memref<80x128xf32, #tpu.memory_space<vmem>> -> memref<80x128xf32, #tpu.memory_space<vmem>>
      %dma_wait3A_621 = arith.constant 0 : i32
      %dma_wait3A_622 = tpu.memref_slice %arg10[%add3A_487, %dma_wait3A_621] : memref<10240x128xf32, #tpu.memory_space<vmem_shared>> -> memref<80x128xf32, #tpu.memory_space<vmem_shared>>
      %dma_wait3A_623 = arith.constant 0 : i32
      %dma_wait3A_624 = arith.constant 0 : i32
      %dma_wait3A_625 = tpu.memref_slice %arg21[%dma_wait3A_623, %dma_wait3A_624] : memref<80x128xf32, #tpu.memory_space<vmem>> -> memref<80x128xf32, #tpu.memory_space<vmem>>
      %dma_wait3A_626 = arith.constant 0 : i32
      %dma_wait3A_627 = tpu.memref_slice %arg10[%add3A_487, %dma_wait3A_626] : memref<10240x128xf32, #tpu.memory_space<vmem_shared>> -> memref<80x128xf32, #tpu.memory_space<vmem_shared>>
      tpu.wait_dma2 semaphore(%run_scoped3A : memref<!tpu.dma_semaphore, #tpu.memory_space<semaphore_mem>>) src(%dma_wait3A_627 : memref<80x128xf32, #tpu.memory_space<vmem_shared>>) dst(%dma_wait3A_625 : memref<80x128xf32, #tpu.memory_space<vmem>>)
      tpu.yield
    }) : () -> ()
    %add3A_488 = arith.constant 400 : i32
    %add3A_489 = arith.addi %mul3A_2, %add3A_488 : i32
    %dma_start3A_490 = arith.constant 0 : i32
    %dma_start3A_491 = arith.constant 0 : i32
    %dma_start3A_492 = tpu.memref_slice %arg21[%dma_start3A_490, %dma_start3A_491] : memref<80x128xf32, #tpu.memory_space<vmem>> -> memref<80x128xf32, #tpu.memory_space<vmem>>
    %dma_start3A_493 = arith.constant 0 : i32
    %dma_start3A_494 = tpu.memref_slice %arg8[%arg0, %add3A_489, %dma_start3A_493] : memref<2x10240x128xf32, #tpu.memory_space<hbm>> -> memref<1x80x128xf32, #tpu.memory_space<hbm>>
    %dma_start3A_495 = tpu.memref_squeeze %dma_start3A_494 : memref<1x80x128xf32, #tpu.memory_space<hbm>> -> memref<80x128xf32, #tpu.memory_space<hbm>>
    %dma_start3A_496 = arith.constant 0 : i32
    %dma_start3A_497 = tpu.memref_slice %arg8[%arg0, %add3A_489, %dma_start3A_496] : memref<2x10240x128xf32, #tpu.memory_space<hbm>> -> memref<1x80x128xf32, #tpu.memory_space<hbm>>
    %dma_start3A_498 = tpu.memref_squeeze %dma_start3A_497 : memref<1x80x128xf32, #tpu.memory_space<hbm>> -> memref<80x128xf32, #tpu.memory_space<hbm>>
    %dma_start3A_499 = arith.constant 0 : i32
    %dma_start3A_500 = arith.constant 0 : i32
    %dma_start3A_501 = tpu.memref_slice %arg21[%dma_start3A_499, %dma_start3A_500] : memref<80x128xf32, #tpu.memory_space<vmem>> -> memref<80x128xf32, #tpu.memory_space<vmem>>
    tpu.enqueue_dma source(%dma_start3A_501 : memref<80x128xf32, #tpu.memory_space<vmem>>) target(%dma_start3A_498 : memref<80x128xf32, #tpu.memory_space<hbm>>) target_semaphore(%arg26 : memref<!tpu.dma_semaphore, #tpu.memory_space<semaphore_mem>>)
    %add3A_502 = arith.constant 240 : i32
    %add3A_503 = arith.addi %mul3A_2, %add3A_502 : i32
    %dma_wait3A_504 = arith.constant 0 : i32
    %dma_wait3A_505 = arith.constant 0 : i32
    %dma_wait3A_506 = tpu.memref_slice %arg19[%dma_wait3A_504, %dma_wait3A_505] : memref<80x128xf32, #tpu.memory_space<vmem>> -> memref<80x128xf32, #tpu.memory_space<vmem>>
    %dma_wait3A_507 = arith.constant 0 : i32
    %dma_wait3A_508 = tpu.memref_slice %arg8[%arg0, %add3A_503, %dma_wait3A_507] : memref<2x10240x128xf32, #tpu.memory_space<hbm>> -> memref<1x80x128xf32, #tpu.memory_space<hbm>>
    %dma_wait3A_509 = tpu.memref_squeeze %dma_wait3A_508 : memref<1x80x128xf32, #tpu.memory_space<hbm>> -> memref<80x128xf32, #tpu.memory_space<hbm>>
    %dma_wait3A_510 = arith.constant 0 : i32
    %dma_wait3A_511 = tpu.memref_slice %arg8[%arg0, %add3A_503, %dma_wait3A_510] : memref<2x10240x128xf32, #tpu.memory_space<hbm>> -> memref<1x80x128xf32, #tpu.memory_space<hbm>>
    %dma_wait3A_512 = tpu.memref_squeeze %dma_wait3A_511 : memref<1x80x128xf32, #tpu.memory_space<hbm>> -> memref<80x128xf32, #tpu.memory_space<hbm>>
    %dma_wait3A_513 = arith.constant 0 : i32
    %dma_wait3A_514 = arith.constant 0 : i32
    %dma_wait3A_515 = tpu.memref_slice %arg19[%dma_wait3A_513, %dma_wait3A_514] : memref<80x128xf32, #tpu.memory_space<vmem>> -> memref<80x128xf32, #tpu.memory_space<vmem>>
    tpu.wait_dma2 semaphore(%arg26 : memref<!tpu.dma_semaphore, #tpu.memory_space<semaphore_mem>>) src(%dma_wait3A_515 : memref<80x128xf32, #tpu.memory_space<vmem>>) dst(%dma_wait3A_512 : memref<80x128xf32, #tpu.memory_space<hbm>>)
    %add3A_516 = arith.constant 480 : i32
    %add3A_517 = arith.addi %mul3A_2, %add3A_516 : i32
    "tpu.region"() ({
      %run_scoped3A = tpu.sem_alloc : memref<!tpu.dma_semaphore, #tpu.memory_space<semaphore_mem>>
      %dma_start3A_608 = arith.constant 0 : i32
      %dma_start3A_609 = arith.constant 0 : i32
      %dma_start3A_610 = tpu.memref_slice %arg19[%dma_start3A_608, %dma_start3A_609] : memref<80x128xf32, #tpu.memory_space<vmem>> -> memref<80x128xf32, #tpu.memory_space<vmem>>
      %dma_start3A_611 = arith.constant 0 : i32
      %dma_start3A_612 = tpu.memref_slice %arg10[%add3A_517, %dma_start3A_611] : memref<10240x128xf32, #tpu.memory_space<vmem_shared>> -> memref<80x128xf32, #tpu.memory_space<vmem_shared>>
      %dma_start3A_613 = arith.constant 0 : i32
      %dma_start3A_614 = arith.constant 0 : i32
      %dma_start3A_615 = tpu.memref_slice %arg19[%dma_start3A_613, %dma_start3A_614] : memref<80x128xf32, #tpu.memory_space<vmem>> -> memref<80x128xf32, #tpu.memory_space<vmem>>
      %dma_start3A_616 = arith.constant 0 : i32
      %dma_start3A_617 = tpu.memref_slice %arg10[%add3A_517, %dma_start3A_616] : memref<10240x128xf32, #tpu.memory_space<vmem_shared>> -> memref<80x128xf32, #tpu.memory_space<vmem_shared>>
      tpu.enqueue_dma source(%dma_start3A_617 : memref<80x128xf32, #tpu.memory_space<vmem_shared>>) target(%dma_start3A_615 : memref<80x128xf32, #tpu.memory_space<vmem>>) target_semaphore(%run_scoped3A : memref<!tpu.dma_semaphore, #tpu.memory_space<semaphore_mem>>)
      %dma_wait3A_618 = arith.constant 0 : i32
      %dma_wait3A_619 = arith.constant 0 : i32
      %dma_wait3A_620 = tpu.memref_slice %arg19[%dma_wait3A_618, %dma_wait3A_619] : memref<80x128xf32, #tpu.memory_space<vmem>> -> memref<80x128xf32, #tpu.memory_space<vmem>>
      %dma_wait3A_621 = arith.constant 0 : i32
      %dma_wait3A_622 = tpu.memref_slice %arg10[%add3A_517, %dma_wait3A_621] : memref<10240x128xf32, #tpu.memory_space<vmem_shared>> -> memref<80x128xf32, #tpu.memory_space<vmem_shared>>
      %dma_wait3A_623 = arith.constant 0 : i32
      %dma_wait3A_624 = arith.constant 0 : i32
      %dma_wait3A_625 = tpu.memref_slice %arg19[%dma_wait3A_623, %dma_wait3A_624] : memref<80x128xf32, #tpu.memory_space<vmem>> -> memref<80x128xf32, #tpu.memory_space<vmem>>
      %dma_wait3A_626 = arith.constant 0 : i32
      %dma_wait3A_627 = tpu.memref_slice %arg10[%add3A_517, %dma_wait3A_626] : memref<10240x128xf32, #tpu.memory_space<vmem_shared>> -> memref<80x128xf32, #tpu.memory_space<vmem_shared>>
      tpu.wait_dma2 semaphore(%run_scoped3A : memref<!tpu.dma_semaphore, #tpu.memory_space<semaphore_mem>>) src(%dma_wait3A_627 : memref<80x128xf32, #tpu.memory_space<vmem_shared>>) dst(%dma_wait3A_625 : memref<80x128xf32, #tpu.memory_space<vmem>>)
      tpu.yield
    }) : () -> ()
    %add3A_518 = arith.constant 480 : i32
    %add3A_519 = arith.addi %mul3A_2, %add3A_518 : i32
    %dma_start3A_520 = arith.constant 0 : i32
    %dma_start3A_521 = arith.constant 0 : i32
    %dma_start3A_522 = tpu.memref_slice %arg19[%dma_start3A_520, %dma_start3A_521] : memref<80x128xf32, #tpu.memory_space<vmem>> -> memref<80x128xf32, #tpu.memory_space<vmem>>
    %dma_start3A_523 = arith.constant 0 : i32
    %dma_start3A_524 = tpu.memref_slice %arg8[%arg0, %add3A_519, %dma_start3A_523] : memref<2x10240x128xf32, #tpu.memory_space<hbm>> -> memref<1x80x128xf32, #tpu.memory_space<hbm>>
    %dma_start3A_525 = tpu.memref_squeeze %dma_start3A_524 : memref<1x80x128xf32, #tpu.memory_space<hbm>> -> memref<80x128xf32, #tpu.memory_space<hbm>>
    %dma_start3A_526 = arith.constant 0 : i32
    %dma_start3A_527 = tpu.memref_slice %arg8[%arg0, %add3A_519, %dma_start3A_526] : memref<2x10240x128xf32, #tpu.memory_space<hbm>> -> memref<1x80x128xf32, #tpu.memory_space<hbm>>
    %dma_start3A_528 = tpu.memref_squeeze %dma_start3A_527 : memref<1x80x128xf32, #tpu.memory_space<hbm>> -> memref<80x128xf32, #tpu.memory_space<hbm>>
    %dma_start3A_529 = arith.constant 0 : i32
    %dma_start3A_530 = arith.constant 0 : i32
    %dma_start3A_531 = tpu.memref_slice %arg19[%dma_start3A_529, %dma_start3A_530] : memref<80x128xf32, #tpu.memory_space<vmem>> -> memref<80x128xf32, #tpu.memory_space<vmem>>
    tpu.enqueue_dma source(%dma_start3A_531 : memref<80x128xf32, #tpu.memory_space<vmem>>) target(%dma_start3A_528 : memref<80x128xf32, #tpu.memory_space<hbm>>) target_semaphore(%arg26 : memref<!tpu.dma_semaphore, #tpu.memory_space<semaphore_mem>>)
    %add3A_532 = arith.constant 320 : i32
    %add3A_533 = arith.addi %mul3A_2, %add3A_532 : i32
    %dma_wait3A_534 = arith.constant 0 : i32
    %dma_wait3A_535 = arith.constant 0 : i32
    %dma_wait3A_536 = tpu.memref_slice %arg20[%dma_wait3A_534, %dma_wait3A_535] : memref<80x128xf32, #tpu.memory_space<vmem>> -> memref<80x128xf32, #tpu.memory_space<vmem>>
    %dma_wait3A_537 = arith.constant 0 : i32
    %dma_wait3A_538 = tpu.memref_slice %arg8[%arg0, %add3A_533, %dma_wait3A_537] : memref<2x10240x128xf32, #tpu.memory_space<hbm>> -> memref<1x80x128xf32, #tpu.memory_space<hbm>>
    %dma_wait3A_539 = tpu.memref_squeeze %dma_wait3A_538 : memref<1x80x128xf32, #tpu.memory_space<hbm>> -> memref<80x128xf32, #tpu.memory_space<hbm>>
    %dma_wait3A_540 = arith.constant 0 : i32
    %dma_wait3A_541 = tpu.memref_slice %arg8[%arg0, %add3A_533, %dma_wait3A_540] : memref<2x10240x128xf32, #tpu.memory_space<hbm>> -> memref<1x80x128xf32, #tpu.memory_space<hbm>>
    %dma_wait3A_542 = tpu.memref_squeeze %dma_wait3A_541 : memref<1x80x128xf32, #tpu.memory_space<hbm>> -> memref<80x128xf32, #tpu.memory_space<hbm>>
    %dma_wait3A_543 = arith.constant 0 : i32
    %dma_wait3A_544 = arith.constant 0 : i32
    %dma_wait3A_545 = tpu.memref_slice %arg20[%dma_wait3A_543, %dma_wait3A_544] : memref<80x128xf32, #tpu.memory_space<vmem>> -> memref<80x128xf32, #tpu.memory_space<vmem>>
    tpu.wait_dma2 semaphore(%arg26 : memref<!tpu.dma_semaphore, #tpu.memory_space<semaphore_mem>>) src(%dma_wait3A_545 : memref<80x128xf32, #tpu.memory_space<vmem>>) dst(%dma_wait3A_542 : memref<80x128xf32, #tpu.memory_space<hbm>>)
    %add3A_546 = arith.constant 560 : i32
    %add3A_547 = arith.addi %mul3A_2, %add3A_546 : i32
    "tpu.region"() ({
      %run_scoped3A = tpu.sem_alloc : memref<!tpu.dma_semaphore, #tpu.memory_space<semaphore_mem>>
      %dma_start3A_608 = arith.constant 0 : i32
      %dma_start3A_609 = arith.constant 0 : i32
      %dma_start3A_610 = tpu.memref_slice %arg20[%dma_start3A_608, %dma_start3A_609] : memref<80x128xf32, #tpu.memory_space<vmem>> -> memref<80x128xf32, #tpu.memory_space<vmem>>
      %dma_start3A_611 = arith.constant 0 : i32
      %dma_start3A_612 = tpu.memref_slice %arg10[%add3A_547, %dma_start3A_611] : memref<10240x128xf32, #tpu.memory_space<vmem_shared>> -> memref<80x128xf32, #tpu.memory_space<vmem_shared>>
      %dma_start3A_613 = arith.constant 0 : i32
      %dma_start3A_614 = arith.constant 0 : i32
      %dma_start3A_615 = tpu.memref_slice %arg20[%dma_start3A_613, %dma_start3A_614] : memref<80x128xf32, #tpu.memory_space<vmem>> -> memref<80x128xf32, #tpu.memory_space<vmem>>
      %dma_start3A_616 = arith.constant 0 : i32
      %dma_start3A_617 = tpu.memref_slice %arg10[%add3A_547, %dma_start3A_616] : memref<10240x128xf32, #tpu.memory_space<vmem_shared>> -> memref<80x128xf32, #tpu.memory_space<vmem_shared>>
      tpu.enqueue_dma source(%dma_start3A_617 : memref<80x128xf32, #tpu.memory_space<vmem_shared>>) target(%dma_start3A_615 : memref<80x128xf32, #tpu.memory_space<vmem>>) target_semaphore(%run_scoped3A : memref<!tpu.dma_semaphore, #tpu.memory_space<semaphore_mem>>)
      %dma_wait3A_618 = arith.constant 0 : i32
      %dma_wait3A_619 = arith.constant 0 : i32
      %dma_wait3A_620 = tpu.memref_slice %arg20[%dma_wait3A_618, %dma_wait3A_619] : memref<80x128xf32, #tpu.memory_space<vmem>> -> memref<80x128xf32, #tpu.memory_space<vmem>>
      %dma_wait3A_621 = arith.constant 0 : i32
      %dma_wait3A_622 = tpu.memref_slice %arg10[%add3A_547, %dma_wait3A_621] : memref<10240x128xf32, #tpu.memory_space<vmem_shared>> -> memref<80x128xf32, #tpu.memory_space<vmem_shared>>
      %dma_wait3A_623 = arith.constant 0 : i32
      %dma_wait3A_624 = arith.constant 0 : i32
      %dma_wait3A_625 = tpu.memref_slice %arg20[%dma_wait3A_623, %dma_wait3A_624] : memref<80x128xf32, #tpu.memory_space<vmem>> -> memref<80x128xf32, #tpu.memory_space<vmem>>
      %dma_wait3A_626 = arith.constant 0 : i32
      %dma_wait3A_627 = tpu.memref_slice %arg10[%add3A_547, %dma_wait3A_626] : memref<10240x128xf32, #tpu.memory_space<vmem_shared>> -> memref<80x128xf32, #tpu.memory_space<vmem_shared>>
      tpu.wait_dma2 semaphore(%run_scoped3A : memref<!tpu.dma_semaphore, #tpu.memory_space<semaphore_mem>>) src(%dma_wait3A_627 : memref<80x128xf32, #tpu.memory_space<vmem_shared>>) dst(%dma_wait3A_625 : memref<80x128xf32, #tpu.memory_space<vmem>>)
      tpu.yield
    }) : () -> ()
    %add3A_548 = arith.constant 560 : i32
    %add3A_549 = arith.addi %mul3A_2, %add3A_548 : i32
    %dma_start3A_550 = arith.constant 0 : i32
    %dma_start3A_551 = arith.constant 0 : i32
    %dma_start3A_552 = tpu.memref_slice %arg20[%dma_start3A_550, %dma_start3A_551] : memref<80x128xf32, #tpu.memory_space<vmem>> -> memref<80x128xf32, #tpu.memory_space<vmem>>
    %dma_start3A_553 = arith.constant 0 : i32
    %dma_start3A_554 = tpu.memref_slice %arg8[%arg0, %add3A_549, %dma_start3A_553] : memref<2x10240x128xf32, #tpu.memory_space<hbm>> -> memref<1x80x128xf32, #tpu.memory_space<hbm>>
    %dma_start3A_555 = tpu.memref_squeeze %dma_start3A_554 : memref<1x80x128xf32, #tpu.memory_space<hbm>> -> memref<80x128xf32, #tpu.memory_space<hbm>>
    %dma_start3A_556 = arith.constant 0 : i32
    %dma_start3A_557 = tpu.memref_slice %arg8[%arg0, %add3A_549, %dma_start3A_556] : memref<2x10240x128xf32, #tpu.memory_space<hbm>> -> memref<1x80x128xf32, #tpu.memory_space<hbm>>
    %dma_start3A_558 = tpu.memref_squeeze %dma_start3A_557 : memref<1x80x128xf32, #tpu.memory_space<hbm>> -> memref<80x128xf32, #tpu.memory_space<hbm>>
    %dma_start3A_559 = arith.constant 0 : i32
    %dma_start3A_560 = arith.constant 0 : i32
    %dma_start3A_561 = tpu.memref_slice %arg20[%dma_start3A_559, %dma_start3A_560] : memref<80x128xf32, #tpu.memory_space<vmem>> -> memref<80x128xf32, #tpu.memory_space<vmem>>
    tpu.enqueue_dma source(%dma_start3A_561 : memref<80x128xf32, #tpu.memory_space<vmem>>) target(%dma_start3A_558 : memref<80x128xf32, #tpu.memory_space<hbm>>) target_semaphore(%arg26 : memref<!tpu.dma_semaphore, #tpu.memory_space<semaphore_mem>>)
    %add3A_562 = arith.constant 400 : i32
    %add3A_563 = arith.addi %mul3A_2, %add3A_562 : i32
    %dma_wait3A_564 = arith.constant 0 : i32
    %dma_wait3A_565 = arith.constant 0 : i32
    %dma_wait3A_566 = tpu.memref_slice %arg21[%dma_wait3A_564, %dma_wait3A_565] : memref<80x128xf32, #tpu.memory_space<vmem>> -> memref<80x128xf32, #tpu.memory_space<vmem>>
    %dma_wait3A_567 = arith.constant 0 : i32
    %dma_wait3A_568 = tpu.memref_slice %arg8[%arg0, %add3A_563, %dma_wait3A_567] : memref<2x10240x128xf32, #tpu.memory_space<hbm>> -> memref<1x80x128xf32, #tpu.memory_space<hbm>>
    %dma_wait3A_569 = tpu.memref_squeeze %dma_wait3A_568 : memref<1x80x128xf32, #tpu.memory_space<hbm>> -> memref<80x128xf32, #tpu.memory_space<hbm>>
    %dma_wait3A_570 = arith.constant 0 : i32
    %dma_wait3A_571 = tpu.memref_slice %arg8[%arg0, %add3A_563, %dma_wait3A_570] : memref<2x10240x128xf32, #tpu.memory_space<hbm>> -> memref<1x80x128xf32, #tpu.memory_space<hbm>>
    %dma_wait3A_572 = tpu.memref_squeeze %dma_wait3A_571 : memref<1x80x128xf32, #tpu.memory_space<hbm>> -> memref<80x128xf32, #tpu.memory_space<hbm>>
    %dma_wait3A_573 = arith.constant 0 : i32
    %dma_wait3A_574 = arith.constant 0 : i32
    %dma_wait3A_575 = tpu.memref_slice %arg21[%dma_wait3A_573, %dma_wait3A_574] : memref<80x128xf32, #tpu.memory_space<vmem>> -> memref<80x128xf32, #tpu.memory_space<vmem>>
    tpu.wait_dma2 semaphore(%arg26 : memref<!tpu.dma_semaphore, #tpu.memory_space<semaphore_mem>>) src(%dma_wait3A_575 : memref<80x128xf32, #tpu.memory_space<vmem>>) dst(%dma_wait3A_572 : memref<80x128xf32, #tpu.memory_space<hbm>>)
    %add3A_576 = arith.constant 480 : i32
    %add3A_577 = arith.addi %mul3A_2, %add3A_576 : i32
    %dma_wait3A_578 = arith.constant 0 : i32
    %dma_wait3A_579 = arith.constant 0 : i32
    %dma_wait3A_580 = tpu.memref_slice %arg19[%dma_wait3A_578, %dma_wait3A_579] : memref<80x128xf32, #tpu.memory_space<vmem>> -> memref<80x128xf32, #tpu.memory_space<vmem>>
    %dma_wait3A_581 = arith.constant 0 : i32
    %dma_wait3A_582 = tpu.memref_slice %arg8[%arg0, %add3A_577, %dma_wait3A_581] : memref<2x10240x128xf32, #tpu.memory_space<hbm>> -> memref<1x80x128xf32, #tpu.memory_space<hbm>>
    %dma_wait3A_583 = tpu.memref_squeeze %dma_wait3A_582 : memref<1x80x128xf32, #tpu.memory_space<hbm>> -> memref<80x128xf32, #tpu.memory_space<hbm>>
    %dma_wait3A_584 = arith.constant 0 : i32
    %dma_wait3A_585 = tpu.memref_slice %arg8[%arg0, %add3A_577, %dma_wait3A_584] : memref<2x10240x128xf32, #tpu.memory_space<hbm>> -> memref<1x80x128xf32, #tpu.memory_space<hbm>>
    %dma_wait3A_586 = tpu.memref_squeeze %dma_wait3A_585 : memref<1x80x128xf32, #tpu.memory_space<hbm>> -> memref<80x128xf32, #tpu.memory_space<hbm>>
    %dma_wait3A_587 = arith.constant 0 : i32
    %dma_wait3A_588 = arith.constant 0 : i32
    %dma_wait3A_589 = tpu.memref_slice %arg19[%dma_wait3A_587, %dma_wait3A_588] : memref<80x128xf32, #tpu.memory_space<vmem>> -> memref<80x128xf32, #tpu.memory_space<vmem>>
    tpu.wait_dma2 semaphore(%arg26 : memref<!tpu.dma_semaphore, #tpu.memory_space<semaphore_mem>>) src(%dma_wait3A_589 : memref<80x128xf32, #tpu.memory_space<vmem>>) dst(%dma_wait3A_586 : memref<80x128xf32, #tpu.memory_space<hbm>>)
    %add3A_590 = arith.constant 560 : i32
    %add3A_591 = arith.addi %mul3A_2, %add3A_590 : i32
    %dma_wait3A_592 = arith.constant 0 : i32
    %dma_wait3A_593 = arith.constant 0 : i32
    %dma_wait3A_594 = tpu.memref_slice %arg20[%dma_wait3A_592, %dma_wait3A_593] : memref<80x128xf32, #tpu.memory_space<vmem>> -> memref<80x128xf32, #tpu.memory_space<vmem>>
    %dma_wait3A_595 = arith.constant 0 : i32
    %dma_wait3A_596 = tpu.memref_slice %arg8[%arg0, %add3A_591, %dma_wait3A_595] : memref<2x10240x128xf32, #tpu.memory_space<hbm>> -> memref<1x80x128xf32, #tpu.memory_space<hbm>>
    %dma_wait3A_597 = tpu.memref_squeeze %dma_wait3A_596 : memref<1x80x128xf32, #tpu.memory_space<hbm>> -> memref<80x128xf32, #tpu.memory_space<hbm>>
    %dma_wait3A_598 = arith.constant 0 : i32
    %dma_wait3A_599 = tpu.memref_slice %arg8[%arg0, %add3A_591, %dma_wait3A_598] : memref<2x10240x128xf32, #tpu.memory_space<hbm>> -> memref<1x80x128xf32, #tpu.memory_space<hbm>>
    %dma_wait3A_600 = tpu.memref_squeeze %dma_wait3A_599 : memref<1x80x128xf32, #tpu.memory_space<hbm>> -> memref<80x128xf32, #tpu.memory_space<hbm>>
    %dma_wait3A_601 = arith.constant 0 : i32
    %dma_wait3A_602 = arith.constant 0 : i32
    %dma_wait3A_603 = tpu.memref_slice %arg20[%dma_wait3A_601, %dma_wait3A_602] : memref<80x128xf32, #tpu.memory_space<vmem>> -> memref<80x128xf32, #tpu.memory_space<vmem>>
    tpu.wait_dma2 semaphore(%arg26 : memref<!tpu.dma_semaphore, #tpu.memory_space<semaphore_mem>>) src(%dma_wait3A_603 : memref<80x128xf32, #tpu.memory_space<vmem>>) dst(%dma_wait3A_600 : memref<80x128xf32, #tpu.memory_space<hbm>>)
    %dma_wait3A_604 = tpu.memref_slice %arg9[%arg0, %mul3A_2] : memref<2x10240xf32, #tpu.memory_space<hbm>> -> memref<1x640xf32, #tpu.memory_space<hbm>>
    %dma_wait3A_605 = tpu.memref_squeeze %dma_wait3A_604 : memref<1x640xf32, #tpu.memory_space<hbm>> -> memref<640xf32, #tpu.memory_space<hbm>>
    %dma_wait3A_606 = tpu.memref_slice %arg9[%arg0, %mul3A_2] : memref<2x10240xf32, #tpu.memory_space<hbm>> -> memref<1x640xf32, #tpu.memory_space<hbm>>
    %dma_wait3A_607 = tpu.memref_squeeze %dma_wait3A_606 : memref<1x640xf32, #tpu.memory_space<hbm>> -> memref<640xf32, #tpu.memory_space<hbm>>
    tpu.wait_dma2 semaphore(%arg27 : memref<!tpu.dma_semaphore, #tpu.memory_space<semaphore_mem>>) src(%arg12 : memref<640xf32, #tpu.memory_space<vmem>>) dst(%dma_wait3A_607 : memref<640xf32, #tpu.memory_space<hbm>>)
    return
  }
}

module attributes {stable_mosaic.version = 14 : i64} {
  func.func @body(%arg0: i32, %arg1: memref<1024x128xf32, #tpu.memory_space<vmem>>, %arg2: memref<1x1024x128xf32, #tpu.memory_space<vmem>>, %arg3: memref<1x1024x128xf32, #tpu.memory_space<vmem>>, %arg4: memref<2x1024xf32, #tpu.memory_space<vmem>>, %arg5: memref<256x128xf32, #tpu.memory_space<vmem>>, %arg6: memref<1x128xf32, #tpu.memory_space<vmem>>, %arg7: memref<1024x128xf32, #tpu.memory_space<vmem>>) attributes {dimension_semantics = [#tpu.dimension_semantics<arbitrary>], iteration_bounds = array<i64: 10>, scalar_prefetch = 0 : i64, scratch_operands = 0 : i64, tpu.core_type = #tpu.core_type<tc>, window_params = [{transform_indices = @transform_0, window_bounds = array<i64: 1024, 128>}, {transform_indices = @transform_1, window_bounds = array<i64: 1, 1024, 128>}, {transform_indices = @transform_2, window_bounds = array<i64: 1, 1024, 128>}, {transform_indices = @transform_3, window_bounds = array<i64: 2, 1024>}, {pipeline_mode = #tpu.pipeline_mode<synchronous>, transform_indices = @transform_4, window_bounds = array<i64: 256, 128>}, {pipeline_mode = #tpu.pipeline_mode<synchronous>, transform_indices = @transform_5, window_bounds = array<i64: 1, 128>}, {transform_indices = @transform_6, window_bounds = array<i64: 1024, 128>}]} {
    %get3A = arith.constant 0 : index
    %get3A_0 = arith.constant 0 : index
    %get3A_1 = arith.constant 0 : index
    %get3A_2 = vector.load %arg2[%get3A, %get3A_0, %get3A_1] : memref<1x1024x128xf32, #tpu.memory_space<vmem>>, vector<1x1024x128xf32>
    %get3A_3 = vector.shape_cast %get3A_2 : vector<1x1024x128xf32> to vector<1024x128xf32>
    %get3A_4 = arith.constant 0 : index
    %get3A_5 = arith.constant 0 : index
    %get3A_6 = arith.constant 0 : index
    %get3A_7 = vector.load %arg3[%get3A_4, %get3A_5, %get3A_6] : memref<1x1024x128xf32, #tpu.memory_space<vmem>>, vector<1x1024x128xf32>
    %get3A_8 = vector.shape_cast %get3A_7 : vector<1x1024x128xf32> to vector<1024x128xf32>
    %add3A = arith.addf %get3A_3, %get3A_8 : vector<1024x128xf32>
    %get3A_9 = arith.constant 0 : index
    %get3A_10 = arith.constant 0 : index
    %get3A_11 = vector.load %arg4[%get3A_9, %get3A_10] : memref<2x1024xf32, #tpu.memory_space<vmem>>, vector<1x1024xf32>
    %get3A_12 = vector.shape_cast %get3A_11 : vector<1x1024xf32> to vector<1024xf32>
    %get3A_13 = arith.constant 1 : index
    %get3A_14 = arith.constant 0 : index
    %get3A_15 = vector.load %arg4[%get3A_13, %get3A_14] : memref<2x1024xf32, #tpu.memory_space<vmem>>, vector<1x1024xf32>
    %get3A_16 = vector.shape_cast %get3A_15 : vector<1x1024xf32> to vector<1024xf32>
    %add3A_17 = arith.addf %get3A_12, %get3A_16 : vector<1024xf32>
    %max3A = arith.constant 1.000000e+00 : f32
    %max3A_18 = vector.broadcast %max3A : f32 to vector<1024xf32>
    %max3A_19 = arith.maximumf %add3A_17, %max3A_18 : vector<1024xf32>
    %broadcast_in_dim3A = vector.shape_cast %max3A_19 : vector<1024xf32> to vector<1024x1xf32>
    %div3A = vector.broadcast %broadcast_in_dim3A : vector<1024x1xf32> to vector<1024x128xf32>
    %div3A_20 = arith.divf %add3A, %div3A : vector<1024x128xf32>
    %get3A_21 = arith.constant 0 : index
    %get3A_22 = arith.constant 0 : index
    %get3A_23 = vector.load %arg5[%get3A_21, %get3A_22] : memref<256x128xf32, #tpu.memory_space<vmem>>, vector<128x128xf32>
    %get3A_24 = arith.constant 128 : index
    %get3A_25 = arith.constant 0 : index
    %get3A_26 = vector.load %arg5[%get3A_24, %get3A_25] : memref<256x128xf32, #tpu.memory_space<vmem>>, vector<128x128xf32>
    %get3A_27 = arith.constant 0 : index
    %get3A_28 = arith.constant 0 : index
    %get3A_29 = vector.load %arg1[%get3A_27, %get3A_28] : memref<1024x128xf32, #tpu.memory_space<vmem>>, vector<1024x128xf32>
    %dot_general3A = arith.constant dense<0.000000e+00> : vector<1024x128xf32>
    %dot_general3A_30 = tpu.matmul %get3A_29, %get3A_23, %dot_general3A {dimension_numbers = #tpu.dot_dimension_numbers<[1], [0], [0], [1], [0, 0, 1, 1], [], []>, transpose_lhs_hint = false} : vector<1024x128xf32>, vector<128x128xf32>, vector<1024x128xf32> -> vector<1024x128xf32>
    %dot_general3A_31 = arith.constant dense<0.000000e+00> : vector<1024x128xf32>
    %dot_general3A_32 = tpu.matmul %div3A_20, %get3A_26, %dot_general3A_31 {dimension_numbers = #tpu.dot_dimension_numbers<[1], [0], [0], [1], [0, 0, 1, 1], [], []>, transpose_lhs_hint = false} : vector<1024x128xf32>, vector<128x128xf32>, vector<1024x128xf32> -> vector<1024x128xf32>
    %add3A_33 = arith.addf %dot_general3A_30, %dot_general3A_32 : vector<1024x128xf32>
    %get3A_34 = arith.constant 0 : index
    %get3A_35 = arith.constant 0 : index
    %get3A_36 = vector.load %arg6[%get3A_34, %get3A_35] : memref<1x128xf32, #tpu.memory_space<vmem>>, vector<1x128xf32>
    %add3A_37 = vector.broadcast %get3A_36 : vector<1x128xf32> to vector<1024x128xf32>
    %add3A_38 = arith.addf %add3A_33, %add3A_37 : vector<1024x128xf32>
    %swap3A = arith.constant 0 : index
    %swap3A_39 = arith.constant 0 : index
    %swap3A_40 = vector.load %arg7[%swap3A, %swap3A_39] : memref<1024x128xf32, #tpu.memory_space<vmem>>, vector<1024x128xf32>
    tpu.vector_store %arg7[%swap3A, %swap3A_39], %add3A_38 {strides = array<i32>} : memref<1024x128xf32, #tpu.memory_space<vmem>>, vector<1024x128xf32>,
    return
  }
  func.func @transform_0(%arg0: i32) -> (i32, i32) {
    %c0_i32 = arith.constant 0 : i32
    %c0_i32_0 = arith.constant 0 : i32
    return %arg0, %c0_i32 : i32, i32
  }
  func.func @transform_1(%arg0: i32) -> (i32, i32, i32) {
    %c0_i32 = arith.constant 0 : i32
    %c0_i32_0 = arith.constant 0 : i32
    %c0_i32_1 = arith.constant 0 : i32
    return %c0_i32, %arg0, %c0_i32_0 : i32, i32, i32
  }
  func.func @transform_2(%arg0: i32) -> (i32, i32, i32) {
    %c1_i32 = arith.constant 1 : i32
    %c0_i32 = arith.constant 0 : i32
    %c0_i32_0 = arith.constant 0 : i32
    return %c1_i32, %arg0, %c0_i32 : i32, i32, i32
  }
  func.func @transform_3(%arg0: i32) -> (i32, i32) {
    %c0_i32 = arith.constant 0 : i32
    %c0_i32_0 = arith.constant 0 : i32
    return %c0_i32, %arg0 : i32, i32
  }
  func.func @transform_4(%arg0: i32) -> (i32, i32) {
    %c0_i32 = arith.constant 0 : i32
    %c0_i32_0 = arith.constant 0 : i32
    %c0_i32_1 = arith.constant 0 : i32
    return %c0_i32, %c0_i32_0 : i32, i32
  }
  func.func @transform_5(%arg0: i32) -> (i32, i32) {
    %c0_i32 = arith.constant 0 : i32
    %c0_i32_0 = arith.constant 0 : i32
    %c0_i32_1 = arith.constant 0 : i32
    return %c0_i32, %c0_i32_0 : i32, i32
  }
  func.func @transform_6(%arg0: i32) -> (i32, i32) {
    %c0_i32 = arith.constant 0 : i32
    %c0_i32_0 = arith.constant 0 : i32
    return %arg0, %c0_i32 : i32, i32
  }
}

</mosaic_0001>

<sc_bundles>
// kernel: kernel.4.cloned.1.call-start
scs
__scs_entry_jumppad:
0x0: {  	(pc) =	sbr.rel $0x88, $3  }
0x1: {  	(tag) =	ssettag $0x0;
	lr =	simm.s32 $0x1  }
0x2: {  	[smem:$0x3F9D] =	sst lr;
	_ =	strace $0xD0000000  }
0x3: {  	_ = 	snop  }
0x4: {  	_ = 	snop  }
0x5: {  	_ = 	snop  }
0x6: {  	_ = 	snop  }
0x7: {  	_ = 	snop  }
__scs_overlays_trampoline_lowered:
0x8: {  	[smem:$0x3FAC] =	sst s0  }
0x9: {  	[smem:$0x3FAD] =	sst s1  }
0xa: {  	[smem:$0x3FAE] =	sst s2  }
0xb: {  	[smem:$0x3FAF] =	sst s3  }
0xc: {  	[smem:$0x3FB0] =	sst s4  }
0xd: {  	[smem:$0x3FB1] =	sst s5  }
0xe: {  	[smem:$0x3FB2] =	sst s6  }
0xf: {  	[smem:$0x3FB3] =	sst s7  }
0x10: {  	[smem:$0x3FB4] =	sst s8  }
0x11: {  	[smem:$0x3FB5] =	sst s9;
	s0 =	simm.s32 @!p0 $0x0  }
0x12: {  	s1 =	sld [smem:$0x3F9B];
	s0 =	simm.s32 @p0 $0x1  }
0x13: {  	[smem:$0x3FB6] =	sst s0;
	s0 =	simm.s32 @!p1 $0x0  }
0x14: {  	s2 =	sld [smem:$0x3F9A];
	s0 =	simm.s32 @p1 $0x1  }
0x15: {  	[smem:$0x3FB7] =	sst s0;
	s0 =	simm.s32 @!p2 $0x0  }
0x16: {  	s3 =	sld [smem:$0x3FDB];
	s0 =	simm.s32 @p2 $0x1  }
0x17: {  	s4 =	simm.s32 $0x1BF5;
	[smem:$0x3FB9] =	sst s0  }
0x18: {  	s0 =	sld [smem:$0x3F9C];
	_ =	swait.ge [sflag:s4], $0x0  }
0x19: {  	s7 =	sld [smem:$0x3F9D]  }
0x1a: {  	s8 =	sadd.s32 $0xFFFFE003, lr  }
0x1b: {  	s9 =	sadd.s32 $0xFFFFFEF7, lr;
	s5 =	simm.s32 $0xFFFFFFFF;
	p2 =	slt.u32 s8, $0xFFFFF086  }
0x1c: {  	p1 =	slt.u32 s9, $0xF7A;
	s5 =	simm.s32 @!p2 $0x0  }
0x1d: {  	s5 =	simm.s32 @p1 $0x1;
	p0 =	seq.s32 s7, s2  }
0x1e: {  	s7 =	smul.u32 @!p0 $0xF7A, s2;
	p2 =	seq.s32 @!p0 s5, $0x0  }
0x1f: {  	s9 =	smul.u32 $0xF7A, s1;
	s8 =	simm.s32 @!p0 $0x1BF5;
	p2 =	por !p2, p0  }
0x20: {  	[sflag:s8] =	ssyncset.s32 @!p0 $0xFFFFF086;
	s6 =	sadd.s32 @!p0 s3, s7;
	s7 =	simm.s32 @!p0 $0x108  }
0x21: {  	s3 =	sadd.s32 s3, s9;
	s6 =	sadd.s32 @!p0 $0x88, s6;
	s7 =	simm.s32 @p2 $0x1082  }
0x22: {  	[simem:s7], [sflag:s8] =	dma.local @!p0 [hbm:s6], $0xF7A  }
0x23: {  	s9 =	sor.u32 $0xD0000000, s2;
	s6 =	simm.s32 $0x108;
	_ =	swait.ge @!p0 [sflag:s8], $0x0  }
0x24: {  	s3 =	sadd.s32 $0x88, s3;
	s6 =	simm.s32 @!p1 $0x1082;
	[sflag:s4] =	ssyncset.s32 $0xFFFFF086  }
0x25: {  	[simem:s6], [sflag:s4] =	dma.local [hbm:s3], $0xF7A  }
0x26: {  	[smem:$0x3F9D] =	sst s1;
	(tag) =	ssettag s2;
	_ =	strace s9  }
0x27: {  	s1 =	sld [smem:$0x3FAD]  }
0x28: {  	s2 =	sld [smem:$0x3FAE]  }
0x29: {  	s4 =	sld [smem:$0x3FB0]  }
0x2a: {  	p0 =	seq.s32 s5, $0x0;
	s5 =	sld [smem:$0x3FB1]  }
0x2b: {  	s6 =	sld [smem:$0x3FB2]  }
0x2c: {  	s7 =	sld [smem:$0x3FB3]  }
0x2d: {  	s3 =	simm.s32 $0x108;
	s8 =	sld [smem:$0x3FB4]  }
0x2e: {  	s3 =	simm.s32 @!p0 $0x1082;
	s9 =	sld [smem:$0x3FB5]  }
0x2f: {  	lr =	sadd.s32 s0, s3;
	s0 =	sld [smem:$0x3FAC]  }
0x30: {  	s3 =	sld [smem:$0x3FAF]  }
0x31: {  	[smem:$0x3FB8] =	sst s10  }
0x32: {  	s10 =	sld [smem:$0x3FB6];
	_ =	sdelay $0x3  }
0x33: {  	p0 =	seq.s32 s10, $0x1;
	s10 =	sld [smem:$0x3FB8];
	_ =	sdelay $0x3  }
0x34: {  	[smem:$0x3FB8] =	sst s10  }
0x35: {  	s10 =	sld [smem:$0x3FB7];
	_ =	sdelay $0x3  }
0x36: {  	p1 =	seq.s32 s10, $0x1;
	s10 =	sld [smem:$0x3FB8];
	_ =	sdelay $0x3  }
0x37: {  	[smem:$0x3FB8] =	sst s10  }
0x38: {  	s10 =	sld [smem:$0x3FB9]  }
0x39: {  	_ = 	snop;
	(pc) =	sbr.ind lr, $3  }
0x3a: {  	_ = 	snop  }
0x3b: {  	_ = 	snop  }
0x3c: {  	p2 =	seq.s32 s10, $0x1;
	s10 =	sld [smem:$0x3FB8]  }
0x3d: {  	_ =	shalt  }
0x3e: {  	_ =	shalt  }
0x3f: {  	_ =	shalt  }
0x40: {  	_ =	shalt  }
0x41: {  	_ =	shalt  }
0x42: {  	_ =	shalt  }
0x43: {  	_ =	shalt  }
0x44: {  	_ =	shalt  }
0x45: {  	_ =	shalt  }
0x46: {  	_ =	shalt  }
0x47: {  	_ =	shalt  }
0x48: {  	_ =	shalt  }
0x49: {  	_ =	shalt  }
0x4a: {  	_ =	shalt  }
0x4b: {  	_ =	shalt  }
0x4c: {  	_ =	shalt  }
0x4d: {  	_ =	shalt  }
0x4e: {  	_ =	shalt  }
0x4f: {  	_ =	shalt  }
0x50: {  	_ =	shalt  }
0x51: {  	_ =	shalt  }
0x52: {  	_ =	shalt  }
0x53: {  	_ =	shalt  }
0x54: {  	_ =	shalt  }
0x55: {  	_ =	shalt  }
0x56: {  	_ =	shalt  }
0x57: {  	_ =	shalt  }
0x58: {  	_ =	shalt  }
0x59: {  	_ =	shalt  }
0x5a: {  	_ =	shalt  }
0x5b: {  	_ =	shalt  }
0x5c: {  	_ =	shalt  }
0x5d: {  	_ =	shalt  }
0x5e: {  	_ =	shalt  }
0x5f: {  	_ =	shalt  }
0x60: {  	_ =	shalt  }
0x61: {  	_ =	shalt  }
0x62: {  	_ =	shalt  }
0x63: {  	_ =	shalt  }
0x64: {  	_ =	shalt  }
0x65: {  	_ =	shalt  }
0x66: {  	_ =	shalt  }
0x67: {  	_ =	shalt  }
0x68: {  	_ =	shalt  }
0x69: {  	_ =	shalt  }
0x6a: {  	_ =	shalt  }
0x6b: {  	_ =	shalt  }
0x6c: {  	_ =	shalt  }
0x6d: {  	_ =	shalt  }
0x6e: {  	_ =	shalt  }
0x6f: {  	_ =	shalt  }
0x70: {  	_ =	shalt  }
0x71: {  	_ =	shalt  }
0x72: {  	_ =	shalt  }
0x73: {  	_ =	shalt  }
0x74: {  	_ =	shalt  }
0x75: {  	_ =	shalt  }
0x76: {  	_ =	shalt  }
0x77: {  	_ =	shalt  }
0x78: {  	_ =	shalt  }
0x79: {  	_ =	shalt  }
0x7a: {  	_ =	shalt  }
0x7b: {  	_ =	shalt  }
0x7c: {  	_ =	shalt  }
0x7d: {  	_ =	shalt  }
0x7e: {  	_ =	shalt  }
0x7f: {  	_ =	shalt  }
0x80: {  	_ =	shalt  }
0x81: {  	_ =	shalt  }
0x82: {  	_ =	shalt  }
0x83: {  	_ =	shalt  }
0x84: {  	_ =	shalt  }
0x85: {  	_ =	shalt  }
0x86: {  	_ =	shalt  }
0x87: {  	_ =	shalt  }
.Lfunc_end0:
.L_simem_size_0:
called_computation_lowered:
.L_overlay_start_0:
0x88: {  	s2 =	sld [smem:$0x3FD9]  }
0x89: {  	s3 =	sld [smem:$0x3FFE];
	_ =	sdelay $0x1  }
0x8a: {  	s1 =	srdreg.scid  }
0x8b: {  	s0 =	sand.u32 $0x1, s1  }
0x8c: {  	s17 =	sshll.u32 s0, $0xA;
	s2 =	sadd.s32 s3, s2  }
0x8d: {  	s2 =	sadd.s32 s2, s17  }
0x8e: {  	[smem:$0x3FC4] =	sst s2  }
0x8f: {  	_ = 	snop  }
0x90: {  	s2 =	sld [smem:$0x3FC9]  }
0x91: {  	s18 =	sld [smem:$0x3FD0];
	(tm) =	ssettm $0x1  }
0x92: {  	s4 =	sld [smem:$0x3FFB];
	_ =	sdelay $0x3  }
0x93: {  	_ =	strace s4  }
0x94: {  	s4 =	sld [smem:$0x3FFC];
	_ =	sdelay $0x3  }
0x95: {  	_ =	strace s4  }
0x96: {  	s4 =	sld [smem:$0x3FFD];
	_ =	sdelay $0x3  }
0x97: {  	_ =	strace s4  }
0x98: {  	_ =	strace $0x8FFFFFFF  }
0x99: {  	s19 =	sld [smem:$0x3FDB];
	_ =	sdelay $0x1  }
0x9a: {  	s5 =	simm.s32 $_scs_section_size  }
0x9b: {  	s6 =	simm.s32 $_size__tile_overlayer_lowered;
	s7 =	simm.s32 $_tile_overlayer_lowered  }
0x9c: {  	s22 =	simm.s32 $0x1BFF;
	s21 =	sshll.u32 s7, $0x1;
	s4 =	sadd.s32 s5, s19  }
0x9d: {  	s8 =	simm.s32 $0x0;
	s20 =	sshll.u32 s6, $0x1;
	s6 =	sadd.s32 s21, s4  }
0x9e: {  	[timem:s8], [sflag:s22] =	dma.local [hbm:s6], s20  }
0x9f: {  	_ =	swait.ge [sflag:s22], s20  }
0xa0: {  	s5 =	ssub.s32 $0x0, s20;
	[sflag:s22] =	ssyncset.done $0x0  }
0xa1: {  	[sflag:s22] =	ssyncadd.s32 s5;
	_ =	sdelay $0x1  }
0xa2: {  	s23 =	simm.s32 $0x1B8B  }
0xa3: {  	_ =	swait.ge [sflag:s23], $0x1  }
0xa4: {  	[sflag:s23] =	ssyncset.done $0x0  }
0xa5: {  	s25 =	simm.s32 $0x1B8E;
	s24 =	sld [smem:$0x3FFE];
	[sflag:s23] =	ssyncadd.s32 $0xFFFFFFFF  }
0xa6: {  	s26 =	simm.s32 $execute0_lowered;
	[smem:$0x3FD2] =	sst s25  }
0xa7: {  	s6 =	sshll.u32 s26, $0x1;
	_ =	strace $0x80000046;
	[dreg:$0x1] =	wrdreg $0xFFFFFFFF  }
0xa8: {  	s28 =	simm.s32 $_size_execute0_lowered;
	s4 =	sadd.s32 s4, s6;
	[dreg:$0x0] =	wrdreg $0x0  }
0xa9: {  	s6 =	sshll.u32 s28, $0x1;
	[dreg:$0x2] =	wrdreg s4  }
0xaa: {  	[dreg:$0x3] =	wrdreg s6  }
0xab: {  	[dreg:$0x4] =	wrdreg $0xC0  }
0xac: {  	_ =	task [dreg:s8], $0x5FFFF  }
0xad: {  	[dreg:$0x1] =	wrdreg $0xFFFFFFFF  }
0xae: {  	[dreg:$0x0] =	wrdreg $0x60  }
0xaf: {  	[dreg:$0x2] =	wrdreg s2  }
0xb0: {  	[dreg:$0x3] =	wrdreg s24  }
0xb1: {  	[dreg:$0x4] =	wrdreg s18  }
0xb2: {  	[dreg:$0x5] =	wrdreg $0x0  }
0xb3: {  	[dreg:$0x6] =	wrdreg $0x140000  }
0xb4: {  	[dreg:$0x7] =	wrdreg $0x9  }
0xb5: {  	_ =	task.clear_ibuf [dreg:s8], $0x8FFFF;
	_ =	strace $0x90000046  }
0xb6: {  	s29 =	simm.s32 $0x9;
	_ =	strace $0x80000048  }
0xb7: {  	_ =	swait.ge [sflag:s29], $0x1  }
0xb8: {  	[sflag:s29] =	ssyncadd.s32 $0xFFFFFFFF  }
0xb9: {  	_ =	strace $0x90000048  }
0xba: {  	_ =	sfence  }
0xbb: {  	s30 =	sld [smem:$0x0];
	_ =	sdelay $0x2  }
0xbc: {  	s31 =	sshll.u32 s1, $0xD;
	s1 =	sshrl.u32 s1, $0x2  }
0xbd: {  	s3 =	sand.u32 $0x4000, s31;
	s1 =	sadd.s32 s1, s30  }
0xbe: {  	s0 =	sor.u32 s3, s0;
	s1 =	sshll.u32 s1, $0x11  }
0xbf: {  	s0 =	sor.u32 s1, s0  }
0xc0: {  	s0 =	sadd.s32 $0x8F2B, s0  }
0xc1: {  	[sflag:s0] =	ssyncadd.remote.s32 $0x1  }
0xc2: {  	_ =	sfence.sel $0xFFFF  }
0xc3: {  	[dreg:$0x0] =	wrdreg $0xFFFFFFFF;
	(pc) =	sbr.abs _section_cstart, $3  }
0xc4: {  	[dreg:$0x1] =	wrdreg $0xFFFFFFFF  }
0xc5: {  	_ =	task.clear_ibuf [dreg:s8], $0x2FFFF;
	_ =	strace $0x9FFFFFFF  }
0xc6: {  	(tm) =	ssettm $0x7FFFFFFF  }
0xc7: {  	_ =	shalt  }
tec
execute0_lowered:
.L_overlay_start_1:
0x0: {  	(tag) =	ssettag $0x1  }
0x1: {  	s1 =	rddreg [dreg:$0x0]  }
0x2: {  	s4 =	rddreg [dreg:$0x1]  }
0x3: {  	s2 =	rddreg [dreg:$0x2]  }
0x4: {  	s3 =	rddreg [dreg:$0x3]  }
0x5: {  	s5 =	rddreg [dreg:$0x4]  }
0x6: {  	s6 =	simm.s32 $0x0;
	s0 =	srdreg.scid;
	s24 =	stileid.u32  }
0x7: {  	s28 =	simm.s32 $0x3;
	s29 =	simm.s32 $0x5;
	s30 =	simm.s32 $0x6  }
0x8: {  	[smem:$0x7FF] =	sst s6;
	s10 =	sand.u32 $0x1, s0;
	s21 =	smul.u32 $0x500, s24  }
0x9: {  	s7 =	sadd.s32 $0x1000, s4;
	s11 =	sadd.s32 $0xB800, s4;
	s9 =	smul.u32 $0x280, s24  }
0xa: {  	s15 =	smul.u32 $0x2710, s24;
	_ =	strace $0x80000047;
	s8 =	sshll.u32 s10, $0x7  }
0xb: {  	s22 =	ssub.s32 $0x2, s10;
	s23 =	smul.u32 $0x27100, s10;
	s14 =	sshll.u32 s10, $0x4  }
0xc: {  	s10 =	smul.u32 $0x140000, s10;
	s0 =	sor.u32 s8, s21;
	s13 =	sshrl.u32 s22, $0x1  }
0xd: {  	s25 =	sor.u32 s24, s14;
	s26 =	sshll.u32 s9, $0x7;
	s9 =	sadd.s32 s9, s5  }
0xe: {  	s12 =	sshrl.u32 s0, $0x3;
	s0 =	ssub.s32 s22, s13;
	s13 =	smul.u32 $0x2710, s25  }
0xf: {  	s16 =	sor.u32 $0x2800, s26;
	s8 =	sadd.s32 s15, s23;
	s15 =	sadd.s32 $0x5000, s26  }
0x10: {  	s17 =	sadd.s32 $0x7800, s26;
	s19 =	sadd.s32 $0xA000, s26;
	s20 =	sadd.s32 $0xC800, s26  }
0x11: {  	s21 =	sadd.s32 $0xF000, s26;
	s23 =	smul.u32 $0x14000, s24;
	s14 =	sadd.s32 $0x11800, s26  }
0x12: {  	[dreg:$0x15] =	wrdreg s9;
	s18 =	sadd.s32 $0x190, s8;
	s0 =	smax.u32 s0, $0x1  }
0x13: {  	s25 =	sadd.s32 $0x140, s8;
	s31 =	sadd.s32 s14, s3;
	[smem:$0x7FA] =	sst s0  }
0x14: {  	s18 =	sshrl.u32 s18, $0x3;
	s0 =	simm.s32 $0x0;
	[smem:$0x7FD] =	sst s31  }
0x15: {  	s23 =	sadd.s32 s23, s10;
	s22 =	sadd.s32 s18, s2;
	[smem:$0x7FC] =	sst s0  }
0x16: {  	s18 =	sadd.s32 s18, s7;
	s23 =	sshrl.u32 s23, $0x3;
	[dreg:$0x6] =	wrdreg s22  }
0x17: {  	s22 =	sshrl.u32 s25, $0x3;
	[dreg:$0x7] =	wrdreg s18;
	s23 =	sadd.s32 s11, s23  }
0x18: {  	s25 =	sadd.s32 s10, s16;
	s26 =	sadd.s32 s22, s2;
	[dreg:$0xa] =	wrdreg s23  }
0x19: {  	s18 =	sshrl.u32 s25, $0x3;
	[dreg:$0x8] =	wrdreg s26;
	s26 =	sadd.s32 s10, s15  }
0x1a: {  	s18 =	sadd.s32 s11, s18;
	s25 =	sshrl.u32 s26, $0x3;
	s26 =	sadd.s32 s10, s17  }
0x1b: {  	[dreg:$0xb] =	wrdreg s18;
	s18 =	sadd.s32 s11, s25;
	s25 =	sshrl.u32 s26, $0x3  }
0x1c: {  	s26 =	sadd.s32 s10, s19;
	[dreg:$0xc] =	wrdreg s18;
	s18 =	sadd.s32 s11, s25  }
0x1d: {  	s25 =	sshrl.u32 s26, $0x3;
	s26 =	sadd.s32 s10, s20;
	[dreg:$0xd] =	wrdreg s18  }
0x1e: {  	s18 =	sadd.s32 s11, s25;
	s25 =	sshrl.u32 s26, $0x3;
	s26 =	sadd.s32 s10, s21  }
0x1f: {  	s10 =	sadd.s32 s10, s14;
	[dreg:$0xe] =	wrdreg s18;
	s18 =	sadd.s32 s11, s25  }
0x20: {  	s14 =	simm.s32 $0x8;
	s25 =	sadd.s32 s22, s7;
	[dreg:$0xf] =	wrdreg s18  }
0x21: {  	s23 =	sshrl.u32 s26, $0x3;
	s26 =	sadd.s32 $0xB200, s4;
	[dreg:$0x9] =	wrdreg s25  }
0x22: {  	s10 =	sshrl.u32 s10, $0x3;
	s18 =	sadd.s32 s11, s23;
	[dreg:$0x12] =	wrdreg s26  }
0x23: {  	s22 =	smul.u32 $0x50000, s24;
	s10 =	sadd.s32 s11, s10;
	[dreg:$0x10] =	wrdreg s18  }
0x24: {  	s11 =	sshrl.u32 s13, $0x3;
	s13 =	sadd.s32 $0xB000, s4;
	[dreg:$0x11] =	wrdreg s10  }
0x25: {  	s10 =	sadd.s32 s12, s4;
	[dreg:$0x13] =	wrdreg s13;
	s4 =	sadd.s32 $0xAE00, s4  }
0x26: {  	s18 =	sadd.s32 $0xA, s11;
	s13 =	sadd.s32 s17, s3;
	[dreg:$0x14] =	wrdreg s4  }
0x27: {  	s12 =	sadd.s32 s15, s3;
	s15 =	sadd.s32 s19, s3;
	[dreg:$0x1d] =	wrdreg s13  }
0x28: {  	s25 =	sshrl.u32 s22, $0x2;
	s22 =	sadd.s32 s2, s11;
	[dreg:$0x1e] =	wrdreg s15  }
0x29: {  	s24 =	sadd.s32 $0x14, s11;
	s23 =	sadd.s32 s7, s18;
	[smem:$0x7F6] =	sst s22  }
0x2a: {  	s19 =	sadd.s32 $0x4CE, s11;
	s4 =	sadd.s32 s2, s18;
	[dreg:$0x16] =	wrdreg s23  }
0x2b: {  	s26 =	sadd.s32 s7, s24;
	s9 =	sadd.s32 s2, s24;
	[dreg:$0x17] =	wrdreg s4  }
0x2c: {  	s17 =	smov.u32 s12;
	s18 =	sadd.s32 s21, s3;
	[dreg:$0x18] =	wrdreg s26  }
0x2d: {  	s21 =	sadd.s32 s7, s11;
	s15 =	simm.s32 $0x14280;
	[dreg:$0x19] =	wrdreg s9  }
0x2e: {  	s22 =	simm.s32 $0x14580;
	s12 =	simm.s32 $0x50;
	[smem:$0x7F2] =	sst s18  }
0x2f: {  	s13 =	simm.s32 $0x14800;
	s4 =	sadd.s32 s25, s3;
	[smem:$0x7F5] =	sst s21  }
0x30: {  	s9 =	sadd.s32 s16, s3;
	s16 =	sadd.s32 s20, s3;
	[dreg:$0x1c] =	wrdreg s17  }
0x31: {  	s20 =	sadd.s32 s7, s19;
	s23 =	sadd.s32 $0x4D8, s11;
	[dreg:$0x1a] =	wrdreg s4  }
0x32: {  	s25 =	sadd.s32 $0x5B800, s10;
	s26 =	sadd.s32 $0xF0, s8;
	[dreg:$0x1b] =	wrdreg s9  }
0x33: {  	s18 =	simm.s32 $0xA;
	s21 =	simm.s32 $0x14680;
	[dreg:$0x1f] =	wrdreg s16  }
0x34: {  	s8 =	simm.s32 $0x14780;
	s10 =	simm.s32 $0x4;
	[smem:$0x7F3] =	sst s20  }
0x35: {  	s11 =	simm.s32 $0x7;
	s4 =	sadd.s32 s2, s19;
	[smem:$0x7F9] =	sst s25  }
0x36: {  	s24 =	sadd.s32 s7, s23;
	[smem:$0x7FB] =	sst s26;
	s16 =	simm.s32 $0x1C000  }
0x37: {  	s20 =	simm.s32 $0x14500;
	s9 =	simm.s32 $0x19800;
	s19 =	simm.s32 $0x17000  }
0x38: {  	s25 =	simm.s32 $0x9;
	s26 =	simm.s32 $0x2;
	[smem:$0x7F4] =	sst s4  }
0x39: {  	[smem:$0x7F7] =	sst s24;
	s4 =	sadd.s32 s2, s23;
	s23 =	simm.s32 $0x14700  }
0x3a: {  	s24 =	simm.s32 $0x1;
	[smem:$0x7F8] =	sst s4;
	s4 =	simm.s32 $0x14600  }
.LBB2_1:
0x3b: {  	s0 =	rddreg [dreg:$0x14]  }
0x3c: {  	[tilespmem:s16], [sflag:$0xA] =	stream.linear.gather [hbm4b:s0+s6], $0x80, $0x38;
	[tilespmem:$0x1C080] =	vst v63  }
0x3d: {  	_ =	swait.ge [sflag:s18], $0x80  }
0x3e: {  	[sflag:s18] =	ssyncset.done $0x0  }
0x3f: {  	s0 =	rddreg [dreg:$0x13];
	[sflag:s18] =	ssyncadd.s32 $0xFFFFFF80  }
0x40: {  	[tilespmem:s15], [sflag:$0xA] =	stream.linear.gather [hbm4b:s0+s6], $0x280, $0x38;
	[tilespmem:$0x1C080] =	vst v63  }
0x41: {  	_ =	swait.ge [sflag:s18], $0x280  }
0x42: {  	[sflag:s18] =	ssyncset.done $0x0  }
0x43: {  	s0 =	rddreg [dreg:$0x15];
	[sflag:s18] =	ssyncadd.s32 $0xFFFFFD80  }
0x44: {  	[spmem:s0] =	stream.linear.scatter [tilespmem:s15], [sflag:$0xA], $0x280, $0x38;
	[tilespmem:$0x1C080] =	vst v63  }
0x45: {  	_ =	swait.ge [sflag:s18], $0x280  }
0x46: {  	s15 =	sld [smem:$0x7F5]  }
0x47: {  	[sflag:s18] =	ssyncset.done $0x0  }
0x48: {  	[sflag:s18] =	ssyncadd.s32 $0xFFFFFD80  }
0x49: {  	[tilespmem:s20], [sflag:$0x7] =	stream.linear.gather [hbm4b:s15+s6], $0x50, $0x38;
	[tilespmem:$0x1C080] =	vst v63  }
0x4a: {  	s15 =	sld [smem:$0x7F6];
	_ =	sdelay $0x2  }
0x4b: {  	[tilespmem:s21], [sflag:$0x7] =	stream.linear.gather [hbm4b:s15+s6], $0x50, $0x38;
	[tilespmem:$0x1C080] =	vst v63  }
0x4c: {  	s15 =	rddreg [dreg:$0x16]  }
0x4d: {  	[tilespmem:s22], [sflag:$0x8] =	stream.linear.gather [hbm4b:s15+s6], $0x50, $0x38;
	[tilespmem:$0x1C080] =	vst v63  }
0x4e: {  	s15 =	rddreg [dreg:$0x17]  }
0x4f: {  	[tilespmem:s23], [sflag:$0x8] =	stream.linear.gather [hbm4b:s15+s6], $0x50, $0x38;
	[tilespmem:$0x1C080] =	vst v63  }
0x50: {  	s15 =	rddreg [dreg:$0x18]  }
0x51: {  	[tilespmem:s4], [sflag:$0x9] =	stream.linear.gather [hbm4b:s15+s6], $0x50, $0x38;
	[tilespmem:$0x1C080] =	vst v63  }
0x52: {  	s15 =	rddreg [dreg:$0x19]  }
0x53: {  	[tilespmem:s8], [sflag:$0x9] =	stream.linear.gather [hbm4b:s15+s6], $0x50, $0x38;
	[tilespmem:$0x1C080] =	vst v63  }
0x54: {  	s15 =	rddreg [dreg:$0x12]  }
0x55: {  	[tilespmem:s9], [sflag:$0xA] =	stream.linear.gather [hbm4b:s15+s6], $0x2800, $0x38;
	[tilespmem:$0x1C080] =	vst v63  }
0x56: {  	_ =	swait.ge [sflag:s18], $0x2800  }
0x57: {  	[sflag:s18] =	ssyncset.done $0x0  }
0x58: {  	[sflag:s18] =	ssyncadd.s32 $0xFFFFD800;
	s18 =	rddreg [dreg:$0x1a]  }
0x59: {  	[spmem:s18] =	stream.linear.scatter [tilespmem:s9], [sflag:$0x4], $0x2800, $0x38;
	[tilespmem:$0x1C080] =	vst v63  }
0x5a: {  	s15 =	rddreg [dreg:$0x1b]  }
0x5b: {  	[spmem:s15] =	stream.linear.scatter [tilespmem:s9], [sflag:$0x4], $0x2800, $0x38;
	[tilespmem:$0x1C080] =	vst v63  }
0x5c: {  	s18 =	rddreg [dreg:$0x1e]  }
0x5d: {  	[spmem:s17] =	stream.linear.scatter [tilespmem:s9], [sflag:$0x4], $0x2800, $0x38;
	[tilespmem:$0x1C080] =	vst v63  }
0x5e: {  	s17 =	rddreg [dreg:$0x1d]  }
0x5f: {  	[spmem:s17] =	stream.linear.scatter [tilespmem:s9], [sflag:$0x4], $0x2800, $0x38;
	[tilespmem:$0x1C080] =	vst v63  }
0x60: {  	s15 =	rddreg [dreg:$0x1f]  }
0x61: {  	[spmem:s18] =	stream.linear.scatter [tilespmem:s9], [sflag:$0x4], $0x2800, $0x38;
	[tilespmem:$0x1C080] =	vst v63  }
0x62: {  	s17 =	sld [smem:$0x7F2]  }
0x63: {  	[spmem:s15] =	stream.linear.scatter [tilespmem:s9], [sflag:$0x4], $0x2800, $0x38;
	[tilespmem:$0x1C080] =	vst v63  }
0x64: {  	_ = 	snop  }
0x65: {  	[spmem:s17] =	stream.linear.scatter [tilespmem:s9], [sflag:$0x4], $0x2800, $0x38;
	[tilespmem:$0x1C080] =	vst v63  }
0x66: {  	_ = 	snop  }
0x67: {  	[spmem:s31] =	stream.linear.scatter [tilespmem:s9], [sflag:$0x4], $0x2800, $0x38;
	[tilespmem:$0x1C080] =	vst v63  }
0x68: {  	_ =	swait.ge [sflag:s10], $0x2800  }
0x69: {  	[sflag:s10] =	ssyncset.done $0x0  }
0x6a: {  	[sflag:s10] =	ssyncadd.s32 $0xFFFFD800  }
0x6b: {  	_ =	swait.ge [sflag:s10], $0x2800  }
0x6c: {  	[sflag:s10] =	ssyncset.done $0x0  }
0x6d: {  	[sflag:s10] =	ssyncadd.s32 $0xFFFFD800  }
0x6e: {  	_ =	swait.ge [sflag:s10], $0x2800  }
0x6f: {  	[sflag:s10] =	ssyncset.done $0x0  }
0x70: {  	[sflag:s10] =	ssyncadd.s32 $0xFFFFD800  }
0x71: {  	_ =	swait.ge [sflag:s10], $0x2800  }
0x72: {  	[sflag:s10] =	ssyncset.done $0x0  }
0x73: {  	[sflag:s10] =	ssyncadd.s32 $0xFFFFD800  }
0x74: {  	_ =	swait.ge [sflag:s10], $0x2800  }
0x75: {  	[sflag:s10] =	ssyncset.done $0x0  }
0x76: {  	[sflag:s10] =	ssyncadd.s32 $0xFFFFD800  }
0x77: {  	_ =	swait.ge [sflag:s10], $0x2800  }
0x78: {  	[sflag:s10] =	ssyncset.done $0x0  }
0x79: {  	[sflag:s10] =	ssyncadd.s32 $0xFFFFD800  }
0x7a: {  	_ =	swait.ge [sflag:s10], $0x2800  }
0x7b: {  	[sflag:s10] =	ssyncset.done $0x0  }
0x7c: {  	[sflag:s10] =	ssyncadd.s32 $0xFFFFD800  }
0x7d: {  	_ =	swait.ge [sflag:s10], $0x2800  }
0x7e: {  	[sflag:s10] =	ssyncset.done $0x0  }
0x7f: {  	[sflag:s10] =	ssyncadd.s32 $0xFFFFD800  }
0x80: {  	[bflag:$0x0] =	sbarrier.arrive $0xFFFF  }
0x81: {  	_ =	swait.ge [sflag:s11], $0x50  }
0x82: {  	[sflag:s11] =	ssyncset.done $0x0  }
0x83: {  	[sflag:s11] =	ssyncadd.s32 $0xFFFFFFB0  }
0x84: {  	_ =	swait.ge [sflag:s11], $0x50  }
0x85: {  	[sflag:s11] =	ssyncset.done $0x0  }
0x86: {  	[sflag:s11] =	ssyncadd.s32 $0xFFFFFFB0  }
0x87: {  	[tilespmem:s13], [sflag:$0x1] =	stream.indirect.gather [hbm4b:s1+s12], $0x80, s20, s12, $0xb8;
	[tilespmem:$0x1C080] =	vst v63  }
0x88: {  	_ =	swait.ge [sflag:s14], $0x50  }
0x89: {  	[sflag:s14] =	ssyncset.done $0x0  }
0x8a: {  	[sflag:s14] =	ssyncadd.s32 $0xFFFFFFB0  }
0x8b: {  	_ =	swait.ge [sflag:s14], $0x50  }
0x8c: {  	[sflag:s14] =	ssyncset.done $0x0  }
0x8d: {  	[sflag:s14] =	ssyncadd.s32 $0xFFFFFFB0  }
0x8e: {  	[tilespmem:s19], [sflag:$0x2] =	stream.indirect.gather [hbm4b:s1+s12], $0x80, s22, s12, $0xb8;
	[tilespmem:$0x1C080] =	vst v63  }
0x8f: {  	_ =	swait.ge [sflag:s24], $0x2800  }
0x90: {  	[sflag:s24] =	ssyncset.done $0x0  }
0x91: {  	[sflag:s24] =	ssyncadd.s32 $0xFFFFD800  }
0x92: {  	[spmem:s3] =	stream.indirect.scatter.add.f32 [tilespmem:s13], [sflag:$0x4], $0x80, s21, s12, $0xb8;
	[tilespmem:$0x1C080] =	vst v63  }
0x93: {  	_ = 	snop  }
0x94: {  	[spmem:s5] =	stream.indirect.scatter.add.f32 [tilespmem:s16], [sflag:$0x4], $0x1, s21, s12, $0xb8;
	[tilespmem:$0x1C080] =	vst v63  }
0x95: {  	_ =	swait.ge [sflag:s25], $0x50  }
0x96: {  	[sflag:s25] =	ssyncset.done $0x0  }
0x97: {  	[sflag:s25] =	ssyncadd.s32 $0xFFFFFFB0  }
0x98: {  	_ =	swait.ge [sflag:s25], $0x50  }
0x99: {  	[sflag:s25] =	ssyncset.done $0x0  }
0x9a: {  	[sflag:s25] =	ssyncadd.s32 $0xFFFFFFB0  }
0x9b: {  	[tilespmem:s9], [sflag:$0x3] =	stream.indirect.gather [hbm4b:s1+s12], $0x80, s4, s12, $0xb8;
	[tilespmem:$0x1C080] =	vst v63  }
0x9c: {  	_ =	swait.ge [sflag:s26], $0x2800  }
0x9d: {  	[sflag:s26] =	ssyncset.done $0x0  }
0x9e: {  	[sflag:s26] =	ssyncadd.s32 $0xFFFFD800  }
0x9f: {  	[spmem:s3] =	stream.indirect.scatter.add.f32 [tilespmem:s19], [sflag:$0x5], $0x80, s23, s12, $0xb8;
	[tilespmem:$0x1C080] =	vst v63  }
0xa0: {  	_ = 	snop  }
0xa1: {  	[spmem:s5] =	stream.indirect.scatter.add.f32 [tilespmem:s16], [sflag:$0x5], $0x1, s23, s12, $0xb8;
	[tilespmem:$0x1C080] =	vst v63  }
0xa2: {  	_ =	swait.ge [sflag:s10], $0x2800  }
0xa3: {  	[sflag:s10] =	ssyncset.done $0x0  }
0xa4: {  	[sflag:s10] =	ssyncadd.s32 $0xFFFFD800  }
0xa5: {  	_ =	swait.ge [sflag:s10], $0x50  }
0xa6: {  	s17 =	sld [smem:$0x7FB];
	_ =	sdelay $0x2  }
0xa7: {  	[sflag:s10] =	ssyncset.done $0x0;
	s18 =	sshrl.u32 s17, $0x3  }
0xa8: {  	[sflag:s10] =	ssyncadd.s32 $0xFFFFFFB0;
	s31 =	sadd.s32 s7, s18  }
0xa9: {  	[tilespmem:s20], [sflag:$0x7] =	stream.linear.gather [hbm4b:s31+s6], $0x50, $0x38;
	[tilespmem:$0x1C080] =	vst v63  }
0xaa: {  	s0 =	sadd.s32 s2, s18  }
0xab: {  	[tilespmem:s21], [sflag:$0x7] =	stream.linear.gather [hbm4b:s0+s6], $0x50, $0x38;
	[tilespmem:$0x1C080] =	vst v63  }
0xac: {  	_ =	swait.ge [sflag:s28], $0x2800  }
0xad: {  	[sflag:s28] =	ssyncset.done $0x0  }
0xae: {  	[sflag:s28] =	ssyncadd.s32 $0xFFFFD800  }
0xaf: {  	[spmem:s3] =	stream.indirect.scatter.add.f32 [tilespmem:s9], [sflag:$0x6], $0x80, s8, s12, $0xb8;
	[tilespmem:$0x1C080] =	vst v63  }
0xb0: {  	_ = 	snop  }
0xb1: {  	[spmem:s5] =	stream.indirect.scatter.add.f32 [tilespmem:s16], [sflag:$0x6], $0x1, s8, s12, $0xb8;
	[tilespmem:$0x1C080] =	vst v63  }
0xb2: {  	_ =	swait.ge [sflag:s29], $0x2800  }
0xb3: {  	[sflag:s29] =	ssyncset.done $0x0  }
0xb4: {  	[sflag:s29] =	ssyncadd.s32 $0xFFFFD800  }
0xb5: {  	_ =	swait.ge [sflag:s29], $0x50  }
0xb6: {  	s15 =	rddreg [dreg:$0x9];
	[sflag:s29] =	ssyncset.done $0x0  }
0xb7: {  	s18 =	rddreg [dreg:$0x8];
	[sflag:s29] =	ssyncadd.s32 $0xFFFFFFB0;
	s0 =	sadd.s32 $0x0, s15  }
0xb8: {  	[tilespmem:s22], [sflag:$0x8] =	stream.linear.gather [hbm4b:s0+s6], $0x50, $0x38;
	[tilespmem:$0x1C080] =	vst v63  }
0xb9: {  	s31 =	sadd.s32 $0x0, s18  }
0xba: {  	[tilespmem:s23], [sflag:$0x8] =	stream.linear.gather [hbm4b:s31+s6], $0x50, $0x38;
	[tilespmem:$0x1C080] =	vst v63  }
0xbb: {  	_ =	swait.ge [sflag:s11], $0x50  }
0xbc: {  	[sflag:s11] =	ssyncset.done $0x0  }
0xbd: {  	[sflag:s11] =	ssyncadd.s32 $0xFFFFFFB0  }
0xbe: {  	_ =	swait.ge [sflag:s11], $0x50  }
0xbf: {  	[sflag:s11] =	ssyncset.done $0x0  }
0xc0: {  	[sflag:s11] =	ssyncadd.s32 $0xFFFFFFB0  }
0xc1: {  	[tilespmem:s13], [sflag:$0x1] =	stream.indirect.gather [hbm4b:s1+s12], $0x80, s20, s12, $0xb8;
	[tilespmem:$0x1C080] =	vst v63  }
0xc2: {  	_ =	swait.ge [sflag:s30], $0x2800  }
0xc3: {  	[sflag:s30] =	ssyncset.done $0x0  }
0xc4: {  	[sflag:s30] =	ssyncadd.s32 $0xFFFFD800  }
0xc5: {  	_ =	swait.ge [sflag:s30], $0x50  }
0xc6: {  	s15 =	rddreg [dreg:$0x7];
	[sflag:s30] =	ssyncset.done $0x0  }
0xc7: {  	s18 =	rddreg [dreg:$0x6];
	[sflag:s30] =	ssyncadd.s32 $0xFFFFFFB0;
	s0 =	sadd.s32 $0x0, s15  }
0xc8: {  	[tilespmem:s4], [sflag:$0x9] =	stream.linear.gather [hbm4b:s0+s6], $0x50, $0x38;
	[tilespmem:$0x1C080] =	vst v63  }
0xc9: {  	s31 =	sadd.s32 $0x0, s18  }
0xca: {  	[tilespmem:s8], [sflag:$0x9] =	stream.linear.gather [hbm4b:s31+s6], $0x50, $0x38;
	[tilespmem:$0x1C080] =	vst v63  }
0xcb: {  	_ =	swait.ge [sflag:s14], $0x50  }
0xcc: {  	[sflag:s14] =	ssyncset.done $0x0  }
0xcd: {  	[sflag:s14] =	ssyncadd.s32 $0xFFFFFFB0  }
0xce: {  	_ =	swait.ge [sflag:s14], $0x50  }
0xcf: {  	[sflag:s14] =	ssyncset.done $0x0  }
0xd0: {  	s18 =	sadd.s32 $0xF0, s17;
	s0 =	simm.s32 $0x1E;
	[sflag:s14] =	ssyncadd.s32 $0xFFFFFFB0  }
.LBB2_2:
0xd1: {  	[tilespmem:s19], [sflag:$0x2] =	stream.indirect.gather [hbm4b:s1+s12], $0x80, s22, s12, $0xb8;
	[tilespmem:$0x1C080] =	vst v63  }
0xd2: {  	_ =	swait.ge [sflag:s24], $0x2800  }
0xd3: {  	[sflag:s24] =	ssyncset.done $0x0  }
0xd4: {  	[sflag:s24] =	ssyncadd.s32 $0xFFFFD800  }
0xd5: {  	[spmem:s3] =	stream.indirect.scatter.add.f32 [tilespmem:s13], [sflag:$0x4], $0x80, s21, s12, $0xb8;
	[tilespmem:$0x1C080] =	vst v63  }
0xd6: {  	_ = 	snop  }
0xd7: {  	[spmem:s5] =	stream.indirect.scatter.add.f32 [tilespmem:s16], [sflag:$0x4], $0x1, s21, s12, $0xb8;
	[tilespmem:$0x1C080] =	vst v63  }
0xd8: {  	_ =	swait.ge [sflag:s25], $0x50  }
0xd9: {  	[sflag:s25] =	ssyncset.done $0x0  }
0xda: {  	[sflag:s25] =	ssyncadd.s32 $0xFFFFFFB0  }
0xdb: {  	_ =	swait.ge [sflag:s25], $0x50  }
0xdc: {  	[sflag:s25] =	ssyncset.done $0x0  }
0xdd: {  	[sflag:s25] =	ssyncadd.s32 $0xFFFFFFB0  }
0xde: {  	[tilespmem:s9], [sflag:$0x3] =	stream.indirect.gather [hbm4b:s1+s12], $0x80, s4, s12, $0xb8;
	[tilespmem:$0x1C080] =	vst v63  }
0xdf: {  	_ =	swait.ge [sflag:s26], $0x2800  }
0xe0: {  	[sflag:s26] =	ssyncset.done $0x0  }
0xe1: {  	[sflag:s26] =	ssyncadd.s32 $0xFFFFD800  }
0xe2: {  	[spmem:s3] =	stream.indirect.scatter.add.f32 [tilespmem:s19], [sflag:$0x5], $0x80, s23, s12, $0xb8;
	[tilespmem:$0x1C080] =	vst v63  }
0xe3: {  	_ = 	snop  }
0xe4: {  	[spmem:s5] =	stream.indirect.scatter.add.f32 [tilespmem:s16], [sflag:$0x5], $0x1, s23, s12, $0xb8;
	[tilespmem:$0x1C080] =	vst v63  }
0xe5: {  	_ =	swait.ge [sflag:s10], $0x2800  }
0xe6: {  	[sflag:s10] =	ssyncset.done $0x0  }
0xe7: {  	[sflag:s10] =	ssyncadd.s32 $0xFFFFD800  }
0xe8: {  	_ =	swait.ge [sflag:s10], $0x50  }
0xe9: {  	s31 =	sshrl.u32 s18, $0x3;
	[sflag:s10] =	ssyncset.done $0x0  }
0xea: {  	s17 =	sadd.s32 s7, s31;
	[sflag:s10] =	ssyncadd.s32 $0xFFFFFFB0  }
0xeb: {  	[tilespmem:s20], [sflag:$0x7] =	stream.linear.gather [hbm4b:s17+s6], $0x50, $0x38;
	[tilespmem:$0x1C080] =	vst v63  }
0xec: {  	s31 =	sadd.s32 s2, s31  }
0xed: {  	[tilespmem:s21], [sflag:$0x7] =	stream.linear.gather [hbm4b:s31+s6], $0x50, $0x38;
	[tilespmem:$0x1C080] =	vst v63  }
0xee: {  	_ =	swait.ge [sflag:s28], $0x2800  }
0xef: {  	[sflag:s28] =	ssyncset.done $0x0  }
0xf0: {  	[sflag:s28] =	ssyncadd.s32 $0xFFFFD800  }
0xf1: {  	[spmem:s3] =	stream.indirect.scatter.add.f32 [tilespmem:s9], [sflag:$0x6], $0x80, s8, s12, $0xb8;
	[tilespmem:$0x1C080] =	vst v63  }
0xf2: {  	_ = 	snop  }
0xf3: {  	[spmem:s5] =	stream.indirect.scatter.add.f32 [tilespmem:s16], [sflag:$0x6], $0x1, s8, s12, $0xb8;
	[tilespmem:$0x1C080] =	vst v63  }
0xf4: {  	_ =	swait.ge [sflag:s29], $0x2800  }
0xf5: {  	[sflag:s29] =	ssyncset.done $0x0  }
0xf6: {  	[sflag:s29] =	ssyncadd.s32 $0xFFFFD800  }
0xf7: {  	_ =	swait.ge [sflag:s29], $0x50  }
0xf8: {  	s15 =	smov.u32 s0;
	s17 =	rddreg [dreg:$0x9];
	[sflag:s29] =	ssyncset.done $0x0  }
0xf9: {  	s31 =	rddreg [dreg:$0x8];
	[sflag:s29] =	ssyncadd.s32 $0xFFFFFFB0;
	s17 =	sadd.s32 s15, s17  }
0xfa: {  	[tilespmem:s22], [sflag:$0x8] =	stream.linear.gather [hbm4b:s17+s6], $0x50, $0x38;
	[tilespmem:$0x1C080] =	vst v63  }
0xfb: {  	s31 =	sadd.s32 s15, s31  }
0xfc: {  	[tilespmem:s23], [sflag:$0x8] =	stream.linear.gather [hbm4b:s31+s6], $0x50, $0x38;
	[tilespmem:$0x1C080] =	vst v63  }
0xfd: {  	_ =	swait.ge [sflag:s11], $0x50  }
0xfe: {  	[sflag:s11] =	ssyncset.done $0x0  }
0xff: {  	[sflag:s11] =	ssyncadd.s32 $0xFFFFFFB0  }
0x100: {  	_ =	swait.ge [sflag:s11], $0x50  }
0x101: {  	[sflag:s11] =	ssyncset.done $0x0  }
0x102: {  	[sflag:s11] =	ssyncadd.s32 $0xFFFFFFB0  }
0x103: {  	[tilespmem:s13], [sflag:$0x1] =	stream.indirect.gather [hbm4b:s1+s12], $0x80, s20, s12, $0xb8;
	[tilespmem:$0x1C080] =	vst v63  }
0x104: {  	_ =	swait.ge [sflag:s30], $0x2800  }
0x105: {  	[sflag:s30] =	ssyncset.done $0x0  }
0x106: {  	[sflag:s30] =	ssyncadd.s32 $0xFFFFD800  }
0x107: {  	_ =	swait.ge [sflag:s30], $0x50  }
0x108: {  	s17 =	rddreg [dreg:$0x7];
	[sflag:s30] =	ssyncset.done $0x0  }
0x109: {  	s31 =	rddreg [dreg:$0x6];
	[sflag:s30] =	ssyncadd.s32 $0xFFFFFFB0;
	s17 =	sadd.s32 s15, s17  }
0x10a: {  	[tilespmem:s4], [sflag:$0x9] =	stream.linear.gather [hbm4b:s17+s6], $0x50, $0x38;
	[tilespmem:$0x1C080] =	vst v63  }
0x10b: {  	s15 =	sadd.s32 s15, s31  }
0x10c: {  	[tilespmem:s8], [sflag:$0x9] =	stream.linear.gather [hbm4b:s15+s6], $0x50, $0x38;
	[tilespmem:$0x1C080] =	vst v63  }
0x10d: {  	p0 =	sne.s32 s0, $0x492;
	_ =	swait.ge [sflag:s14], $0x50  }
.Ltmp0:
0x10e: {  	[sflag:s14] =	ssyncset.done $0x0;
	(pc) =	sbr.rel @p0 .LBB2_2-.Ltmp0, $4  }
0x10f: {  	[sflag:s14] =	ssyncadd.s32 $0xFFFFFFB0  }
0x110: {  	_ =	swait.ge [sflag:s14], $0x50  }
0x111: {  	[sflag:s14] =	ssyncset.done $0x0  }
0x112: {  	s0 =	sadd.s32 $0x1E, s0;
	s18 =	sadd.s32 $0xF0, s18;
	[sflag:s14] =	ssyncadd.s32 $0xFFFFFFB0  }
0x113: {  	[tilespmem:s19], [sflag:$0x2] =	stream.indirect.gather [hbm4b:s1+s12], $0x80, s22, s12, $0xb8;
	[tilespmem:$0x1C080] =	vst v63  }
0x114: {  	_ =	swait.ge [sflag:s24], $0x2800  }
0x115: {  	[sflag:s24] =	ssyncset.done $0x0  }
0x116: {  	[sflag:s24] =	ssyncadd.s32 $0xFFFFD800  }
0x117: {  	[spmem:s3] =	stream.indirect.scatter.add.f32 [tilespmem:s13], [sflag:$0x4], $0x80, s21, s12, $0xb8;
	[tilespmem:$0x1C080] =	vst v63  }
0x118: {  	_ = 	snop  }
0x119: {  	[spmem:s5] =	stream.indirect.scatter.add.f32 [tilespmem:s16], [sflag:$0x4], $0x1, s21, s12, $0xb8;
	[tilespmem:$0x1C080] =	vst v63  }
0x11a: {  	_ =	swait.ge [sflag:s25], $0x50  }
0x11b: {  	[sflag:s25] =	ssyncset.done $0x0  }
0x11c: {  	[sflag:s25] =	ssyncadd.s32 $0xFFFFFFB0  }
0x11d: {  	_ =	swait.ge [sflag:s25], $0x50  }
0x11e: {  	[sflag:s25] =	ssyncset.done $0x0  }
0x11f: {  	[sflag:s25] =	ssyncadd.s32 $0xFFFFFFB0  }
0x120: {  	[tilespmem:s9], [sflag:$0x3] =	stream.indirect.gather [hbm4b:s1+s12], $0x80, s4, s12, $0xb8;
	[tilespmem:$0x1C080] =	vst v63  }
0x121: {  	_ =	swait.ge [sflag:s26], $0x2800  }
0x122: {  	[sflag:s26] =	ssyncset.done $0x0  }
0x123: {  	[sflag:s26] =	ssyncadd.s32 $0xFFFFD800  }
0x124: {  	[spmem:s3] =	stream.indirect.scatter.add.f32 [tilespmem:s19], [sflag:$0x5], $0x80, s23, s12, $0xb8;
	[tilespmem:$0x1C080] =	vst v63  }
0x125: {  	_ = 	snop  }
0x126: {  	[spmem:s5] =	stream.indirect.scatter.add.f32 [tilespmem:s16], [sflag:$0x5], $0x1, s23, s12, $0xb8;
	[tilespmem:$0x1C080] =	vst v63  }
0x127: {  	_ =	swait.ge [sflag:s10], $0x2800  }
0x128: {  	[sflag:s10] =	ssyncset.done $0x0  }
0x129: {  	[sflag:s10] =	ssyncadd.s32 $0xFFFFD800  }
0x12a: {  	_ =	swait.ge [sflag:s10], $0x50  }
0x12b: {  	s0 =	sld [smem:$0x7F3]  }
0x12c: {  	[sflag:s10] =	ssyncset.done $0x0  }
0x12d: {  	s18 =	sld [smem:$0x7F4];
	[sflag:s10] =	ssyncadd.s32 $0xFFFFFFB0  }
0x12e: {  	[tilespmem:s20], [sflag:$0x7] =	stream.linear.gather [hbm4b:s0+s6], $0x50, $0x38;
	[tilespmem:$0x1C080] =	vst v63  }
0x12f: {  	_ = 	snop  }
0x130: {  	[tilespmem:s21], [sflag:$0x7] =	stream.linear.gather [hbm4b:s18+s6], $0x50, $0x38;
	[tilespmem:$0x1C080] =	vst v63  }
0x131: {  	_ =	swait.ge [sflag:s11], $0x50  }
0x132: {  	[sflag:s11] =	ssyncset.done $0x0  }
0x133: {  	[sflag:s11] =	ssyncadd.s32 $0xFFFFFFB0  }
0x134: {  	_ =	swait.ge [sflag:s11], $0x50  }
0x135: {  	[sflag:s11] =	ssyncset.done $0x0  }
0x136: {  	[sflag:s11] =	ssyncadd.s32 $0xFFFFFFB0  }
0x137: {  	[tilespmem:s13], [sflag:$0x1] =	stream.indirect.gather [hbm4b:s1+s12], $0x80, s20, s12, $0xb8;
	[tilespmem:$0x1C080] =	vst v63  }
0x138: {  	_ =	swait.ge [sflag:s28], $0x2800  }
0x139: {  	[sflag:s28] =	ssyncset.done $0x0  }
0x13a: {  	[sflag:s28] =	ssyncadd.s32 $0xFFFFD800  }
0x13b: {  	[spmem:s3] =	stream.indirect.scatter.add.f32 [tilespmem:s9], [sflag:$0x6], $0x80, s8, s12, $0xb8;
	[tilespmem:$0x1C080] =	vst v63  }
0x13c: {  	_ = 	snop  }
0x13d: {  	[spmem:s5] =	stream.indirect.scatter.add.f32 [tilespmem:s16], [sflag:$0x6], $0x1, s8, s12, $0xb8;
	[tilespmem:$0x1C080] =	vst v63  }
0x13e: {  	_ =	swait.ge [sflag:s29], $0x2800  }
0x13f: {  	[sflag:s29] =	ssyncset.done $0x0  }
0x140: {  	[sflag:s29] =	ssyncadd.s32 $0xFFFFD800  }
0x141: {  	_ =	swait.ge [sflag:s29], $0x50  }
0x142: {  	s15 =	sld [smem:$0x7F7]  }
0x143: {  	[sflag:s29] =	ssyncset.done $0x0  }
0x144: {  	s17 =	sld [smem:$0x7F8];
	[sflag:s29] =	ssyncadd.s32 $0xFFFFFFB0  }
0x145: {  	[tilespmem:s22], [sflag:$0x8] =	stream.linear.gather [hbm4b:s15+s6], $0x50, $0x38;
	[tilespmem:$0x1C080] =	vst v63  }
0x146: {  	_ = 	snop  }
0x147: {  	[tilespmem:s23], [sflag:$0x8] =	stream.linear.gather [hbm4b:s17+s6], $0x50, $0x38;
	[tilespmem:$0x1C080] =	vst v63  }
0x148: {  	_ =	swait.ge [sflag:s14], $0x50  }
0x149: {  	[sflag:s14] =	ssyncset.done $0x0  }
0x14a: {  	[sflag:s14] =	ssyncadd.s32 $0xFFFFFFB0  }
0x14b: {  	_ =	swait.ge [sflag:s14], $0x50  }
0x14c: {  	[sflag:s14] =	ssyncset.done $0x0  }
0x14d: {  	[sflag:s14] =	ssyncadd.s32 $0xFFFFFFB0  }
0x14e: {  	[tilespmem:s19], [sflag:$0x2] =	stream.indirect.gather [hbm4b:s1+s12], $0x80, s22, s12, $0xb8;
	[tilespmem:$0x1C080] =	vst v63  }
0x14f: {  	_ =	swait.ge [sflag:s24], $0x2800  }
0x150: {  	[sflag:s24] =	ssyncset.done $0x0  }
0x151: {  	[sflag:s24] =	ssyncadd.s32 $0xFFFFD800  }
0x152: {  	[spmem:s3] =	stream.indirect.scatter.add.f32 [tilespmem:s13], [sflag:$0x4], $0x80, s21, s12, $0xb8;
	[tilespmem:$0x1C080] =	vst v63  }
0x153: {  	_ = 	snop  }
0x154: {  	[spmem:s5] =	stream.indirect.scatter.add.f32 [tilespmem:s16], [sflag:$0x4], $0x1, s21, s12, $0xb8;
	[tilespmem:$0x1C080] =	vst v63  }
0x155: {  	_ =	swait.ge [sflag:s26], $0x2800  }
0x156: {  	[sflag:s26] =	ssyncset.done $0x0  }
0x157: {  	[sflag:s26] =	ssyncadd.s32 $0xFFFFD800  }
0x158: {  	[spmem:s3] =	stream.indirect.scatter.add.f32 [tilespmem:s19], [sflag:$0x5], $0x80, s23, s12, $0xb8;
	[tilespmem:$0x1C080] =	vst v63  }
0x159: {  	_ = 	snop  }
0x15a: {  	[spmem:s5] =	stream.indirect.scatter.add.f32 [tilespmem:s16], [sflag:$0x5], $0x1, s23, s12, $0xb8;
	[tilespmem:$0x1C080] =	vst v63  }
0x15b: {  	_ =	swait.ge [sflag:s30], $0x2800  }
0x15c: {  	[sflag:s30] =	ssyncset.done $0x0  }
0x15d: {  	[sflag:s30] =	ssyncadd.s32 $0xFFFFD800  }
0x15e: {  	_ =	swait.ge [sflag:s30], $0x50  }
0x15f: {  	[sflag:s30] =	ssyncset.done $0x0  }
0x160: {  	[sflag:s30] =	ssyncadd.s32 $0xFFFFFFB0  }
0x161: {  	_ =	swait.ge [sflag:s10], $0x2800  }
0x162: {  	[sflag:s10] =	ssyncset.done $0x0  }
0x163: {  	[sflag:s10] =	ssyncadd.s32 $0xFFFFD800  }
0x164: {  	_ =	swait.ge [sflag:s10], $0x50  }
0x165: {  	[sflag:s10] =	ssyncset.done $0x0  }
0x166: {  	[sflag:s10] =	ssyncadd.s32 $0xFFFFFFB0  }
0x167: {  	_ =	swait.ge [sflag:s29], $0x2800  }
0x168: {  	[sflag:s29] =	ssyncset.done $0x0  }
0x169: {  	[sflag:s29] =	ssyncadd.s32 $0xFFFFD800  }
0x16a: {  	_ =	swait.ge [sflag:s29], $0x50  }
0x16b: {  	[sflag:s29] =	ssyncset.done $0x0  }
0x16c: {  	[sflag:s29] =	ssyncadd.s32 $0xFFFFFFB0  }
0x16d: {  	[bflag:$0x0] =	sbarrier.arrive $0xFFFF  }
0x16e: {  	s15 =	simm.s32 $0x14280;
	s18 =	rddreg [dreg:$0x15]  }
0x16f: {  	[tilespmem:s15], [sflag:$0xA] =	stream.linear.gather [spmem:s18], $0x280, $0x38;
	[tilespmem:$0x1C080] =	vst v63  }
0x170: {  	s18 =	simm.s32 $0xA  }
0x171: {  	_ =	swait.ge [sflag:s18], $0x280  }
0x172: {  	s0 =	sld [smem:$0x7F9]  }
0x173: {  	[sflag:s18] =	ssyncset.done $0x0  }
0x174: {  	s31 =	simm.s32 $0x100;
	s17 =	simm.s32 $0x80;
	[sflag:s18] =	ssyncadd.s32 $0xFFFFFD80  }
0x175: {  	[hbm4b:s0+s17] =	stream.strided.scatter [tilespmem:s15], [sflag:$0x5], $0x280, s31, s17, $0x38;
	[tilespmem:$0x1C080] =	vst v63  }
0x176: {  	s17 =	rddreg [dreg:$0x1a]  }
0x177: {  	[tilespmem:s13], [sflag:$0xA] =	stream.linear.gather [spmem:s17], $0x2800, $0x38;
	[tilespmem:$0x1C080] =	vst v63  }
0x178: {  	_ =	swait.ge [sflag:s18], $0x2800  }
0x179: {  	[sflag:s18] =	ssyncset.done $0x0  }
0x17a: {  	s17 =	rddreg [dreg:$0xa];
	[sflag:s18] =	ssyncadd.s32 $0xFFFFD800  }
0x17b: {  	[hbm4b:s17+s6] =	stream.linear.scatter [tilespmem:s13], [sflag:$0x4], $0x2800, $0x38;
	[tilespmem:$0x1C080] =	vst v63  }
0x17c: {  	s17 =	rddreg [dreg:$0x1b]  }
0x17d: {  	[tilespmem:s19], [sflag:$0xA] =	stream.linear.gather [spmem:s17], $0x2800, $0x38;
	[tilespmem:$0x1C080] =	vst v63  }
0x17e: {  	_ =	swait.ge [sflag:s18], $0x2800  }
0x17f: {  	[sflag:s18] =	ssyncset.done $0x0  }
0x180: {  	s17 =	rddreg [dreg:$0xb];
	[sflag:s18] =	ssyncadd.s32 $0xFFFFD800  }
0x181: {  	[hbm4b:s17+s6] =	stream.linear.scatter [tilespmem:s19], [sflag:$0x4], $0x2800, $0x38;
	[tilespmem:$0x1C080] =	vst v63  }
0x182: {  	s17 =	rddreg [dreg:$0x1c]  }
0x183: {  	[tilespmem:s9], [sflag:$0xA] =	stream.linear.gather [spmem:s17], $0x2800, $0x38;
	[tilespmem:$0x1C080] =	vst v63  }
0x184: {  	_ =	swait.ge [sflag:s18], $0x2800  }
0x185: {  	[sflag:s18] =	ssyncset.done $0x0  }
0x186: {  	s17 =	rddreg [dreg:$0xc];
	[sflag:s18] =	ssyncadd.s32 $0xFFFFD800  }
0x187: {  	[hbm4b:s17+s6] =	stream.linear.scatter [tilespmem:s9], [sflag:$0x4], $0x2800, $0x38;
	[tilespmem:$0x1C080] =	vst v63  }
0x188: {  	_ =	swait.ge [sflag:s10], $0x2800  }
0x189: {  	[sflag:s10] =	ssyncset.done $0x0  }
0x18a: {  	s17 =	rddreg [dreg:$0x1d];
	[sflag:s10] =	ssyncadd.s32 $0xFFFFD800  }
0x18b: {  	[tilespmem:s13], [sflag:$0xA] =	stream.linear.gather [spmem:s17], $0x2800, $0x38;
	[tilespmem:$0x1C080] =	vst v63  }
0x18c: {  	_ =	swait.ge [sflag:s18], $0x2800  }
0x18d: {  	[sflag:s18] =	ssyncset.done $0x0  }
0x18e: {  	s17 =	rddreg [dreg:$0xd];
	[sflag:s18] =	ssyncadd.s32 $0xFFFFD800  }
0x18f: {  	[hbm4b:s17+s6] =	stream.linear.scatter [tilespmem:s13], [sflag:$0x4], $0x2800, $0x38;
	[tilespmem:$0x1C080] =	vst v63  }
0x190: {  	_ =	swait.ge [sflag:s10], $0x2800  }
0x191: {  	[sflag:s10] =	ssyncset.done $0x0  }
0x192: {  	s17 =	rddreg [dreg:$0x1e];
	[sflag:s10] =	ssyncadd.s32 $0xFFFFD800  }
0x193: {  	[tilespmem:s19], [sflag:$0xA] =	stream.linear.gather [spmem:s17], $0x2800, $0x38;
	[tilespmem:$0x1C080] =	vst v63  }
0x194: {  	_ =	swait.ge [sflag:s18], $0x2800  }
0x195: {  	[sflag:s18] =	ssyncset.done $0x0  }
0x196: {  	s17 =	rddreg [dreg:$0xe];
	[sflag:s18] =	ssyncadd.s32 $0xFFFFD800  }
0x197: {  	[hbm4b:s17+s6] =	stream.linear.scatter [tilespmem:s19], [sflag:$0x4], $0x2800, $0x38;
	[tilespmem:$0x1C080] =	vst v63  }
0x198: {  	_ =	swait.ge [sflag:s10], $0x2800  }
0x199: {  	[sflag:s10] =	ssyncset.done $0x0  }
0x19a: {  	s17 =	rddreg [dreg:$0x1f];
	[sflag:s10] =	ssyncadd.s32 $0xFFFFD800  }
0x19b: {  	[tilespmem:s9], [sflag:$0xA] =	stream.linear.gather [spmem:s17], $0x2800, $0x38;
	[tilespmem:$0x1C080] =	vst v63  }
0x19c: {  	_ =	swait.ge [sflag:s18], $0x2800  }
0x19d: {  	[sflag:s18] =	ssyncset.done $0x0  }
0x19e: {  	s17 =	rddreg [dreg:$0xf];
	[sflag:s18] =	ssyncadd.s32 $0xFFFFD800  }
0x19f: {  	[hbm4b:s17+s6] =	stream.linear.scatter [tilespmem:s9], [sflag:$0x4], $0x2800, $0x38;
	[tilespmem:$0x1C080] =	vst v63  }
0x1a0: {  	_ =	swait.ge [sflag:s10], $0x2800  }
0x1a1: {  	s17 =	sld [smem:$0x7F2]  }
0x1a2: {  	[sflag:s10] =	ssyncset.done $0x0  }
0x1a3: {  	[sflag:s10] =	ssyncadd.s32 $0xFFFFD800  }
0x1a4: {  	[tilespmem:s13], [sflag:$0xA] =	stream.linear.gather [spmem:s17], $0x2800, $0x38;
	[tilespmem:$0x1C080] =	vst v63  }
0x1a5: {  	_ =	swait.ge [sflag:s18], $0x2800  }
0x1a6: {  	[sflag:s18] =	ssyncset.done $0x0  }
0x1a7: {  	s17 =	rddreg [dreg:$0x10];
	[sflag:s18] =	ssyncadd.s32 $0xFFFFD800  }
0x1a8: {  	[hbm4b:s17+s6] =	stream.linear.scatter [tilespmem:s13], [sflag:$0x4], $0x2800, $0x38;
	[tilespmem:$0x1C080] =	vst v63  }
0x1a9: {  	_ =	swait.ge [sflag:s10], $0x2800  }
0x1aa: {  	s31 =	sld [smem:$0x7FD]  }
0x1ab: {  	[sflag:s10] =	ssyncset.done $0x0  }
0x1ac: {  	[sflag:s10] =	ssyncadd.s32 $0xFFFFD800  }
0x1ad: {  	[tilespmem:s19], [sflag:$0xA] =	stream.linear.gather [spmem:s31], $0x2800, $0x38;
	[tilespmem:$0x1C080] =	vst v63  }
0x1ae: {  	_ =	swait.ge [sflag:s18], $0x2800  }
0x1af: {  	[sflag:s18] =	ssyncset.done $0x0  }
0x1b0: {  	s17 =	rddreg [dreg:$0x11];
	[sflag:s18] =	ssyncadd.s32 $0xFFFFD800  }
0x1b1: {  	[hbm4b:s17+s6] =	stream.linear.scatter [tilespmem:s19], [sflag:$0x4], $0x2800, $0x38;
	[tilespmem:$0x1C080] =	vst v63  }
0x1b2: {  	_ =	swait.ge [sflag:s10], $0x2800  }
0x1b3: {  	[sflag:s10] =	ssyncset.done $0x0  }
0x1b4: {  	[sflag:s10] =	ssyncadd.s32 $0xFFFFD800  }
0x1b5: {  	_ =	swait.ge [sflag:s10], $0x2800  }
0x1b6: {  	[sflag:s10] =	ssyncset.done $0x0  }
0x1b7: {  	[sflag:s10] =	ssyncadd.s32 $0xFFFFD800  }
0x1b8: {  	_ =	swait.ge [sflag:s10], $0x2800  }
0x1b9: {  	[sflag:s10] =	ssyncset.done $0x0  }
0x1ba: {  	[sflag:s10] =	ssyncadd.s32 $0xFFFFD800  }
0x1bb: {  	_ =	swait.ge [sflag:s29], $0x280  }
0x1bc: {  	s0 =	sld [smem:$0x7FC];
	_ =	sdelay $0x2  }
0x1bd: {  	s17 =	sadd.s32 $0x1, s0;
	s0 =	sld [smem:$0x7FA];
	_ =	sdelay $0x2  }
0x1be: {  	p0 =	sne.s32 s17, s0  }
.Ltmp1:
0x1bf: {  	_ = 	snop;
	(pc) =	sbr.rel @p0 .LBB2_1-.Ltmp1, $3  }
0x1c0: {  	_ =	sdelay $0x1  }
0x1c1: {  	[sflag:s29] =	ssyncset.done $0x0;
	[smem:$0x7FC] =	sst s17  }
0x1c2: {  	[sflag:s29] =	ssyncadd.s32 $0xFFFFFD80;
	s17 =	rddreg [dreg:$0x1c]  }
0x1c3: {  	_ =	sfence.sel $0x180000  }
0x1c4: {  	[bflag:$0x0] =	sbarrier.arrive $0xFFFF  }
0x1c5: {  	_ =	strace $0x90000047  }
0x1c6: {  	s0 =	stileid.u32;
	[bflag:$0x2] =	sbarrier.arrive $0xFFFF  }
0x1c7: {  	p0 =	sne.s32 s0, $0x0;
	s0 =	rddreg [dreg:$0x5]  }
0x1c8: {  	s0 =	sadd.s32 @!p0 $0x100000, s0  }
0x1c9: {  	[sflag:s0] =	ssyncadd.tile.s32 @!p0 $0x1;
	_ =	shalt  }
.Lfunc_end2:
_tile_overlayer_lowered:
.L_overlay_start_2:
0x1ca: {  	(tag) =	ssettag $0x2  }
0x1cb: {  	s0 =	rddreg [dreg:$0x0];
	s2 =	stileid.u32  }
0x1cc: {  	s1 =	rddreg [dreg:$0x1];
	p0 =	sne.s32 s2, $0x0  }
0x1cd: {  	s3 =	rddreg [dreg:$0x2];
	[bflag:$0x3] =	sbarrier.arrive $0xFFFF;
	s2 =	simm.s32 @!p0 $0x1C0A  }
0x1ce: {  	[timem:s3], [sflag:s2] =	dma.local @!p0 [hbm:s0], s1  }
0x1cf: {  	s0 =	simm.s32 @!p0 $0xA  }
0x1d0: {  	_ =	swait.ge @!p0 [sflag:s0], s1  }
0x1d1: {  	s1 =	ssub.s32 @!p0 $0x0, s1;
	[sflag:s0] =	ssyncset.done @!p0 $0x0  }
0x1d2: {  	[sflag:s0] =	ssyncadd.s32 @!p0 s1  }
0x1d3: {  	[bflag:$0x3] =	sbarrier.arrive $0xFFFF  }
0x1d4: {  	_ =	shalt  }

</sc_bundles>
